<compile_context>
chip_gen: v7x
topology: tpu7x:2x2x1
jax: 0.10.2.dev20260603
libtpu: 0.0.44.dev20260713+nightly
codegen_flags: <defaults>
</compile_context>

<pallas_src>
import functools

import jax
import jax.numpy as jnp
from jax import lax
from jax.experimental import pallas as pl
from jax.experimental.pallas import tpu as pltpu
from jax.experimental.pallas import tpu_sc as plsc

NC = 2
NS = 16
NW = NC * NS
K = 128
WIN = 8


def _fill_zeros_1d(ref):
    for i in range(ref.shape[0] // 16):
        ref[pl.ds(i * 16, 16)] = jnp.zeros((16,), jnp.float32)


def _fill_ones_1d(ref):
    for i in range(ref.shape[0] // 16):
        ref[pl.ds(i * 16, 16)] = jnp.ones((16,), jnp.float32)


def _deg_body(ei_hbm, out_hbm, idx_v, ones_v, zero_v, sem, deg_sh):
    c = lax.axis_index("c")
    s = lax.axis_index("s")
    w = c * NS + s
    n_chunk = idx_v.shape[0]
    nacc = deg_sh.shape[0]
    per_tile = nacc // NS
    zr = zero_v.shape[0]

    _fill_ones_1d(ones_v)
    _fill_zeros_1d(zero_v)
    for i in range(per_tile // zr):
        pltpu.sync_copy(zero_v, deg_sh.at[pl.ds(s * per_tile + i * zr, zr)])
    plsc.subcore_barrier()

    pltpu.sync_copy(ei_hbm.at[1, pl.ds(w * n_chunk, n_chunk)], idx_v)

    def body(j, _):
        pltpu.async_copy(ones_v, deg_sh.at[idx_v.at[j]], sem, add=True)
        return 0

    lax.fori_loop(0, n_chunk, body, 0)

    def drain(j, _):
        pltpu.make_async_copy(ei_hbm.at[1, 0], idx_v.at[0], sem).wait()
        return 0

    lax.fori_loop(0, n_chunk, drain, 0)
    plsc.subcore_barrier()
    pltpu.sync_copy(deg_sh.at[pl.ds(s * per_tile, per_tile)],
                    out_hbm.at[c, pl.ds(s * per_tile, per_tile)])


def _make_deg_kernel(n_chunk, nacc):
    return functools.partial(
        pl.kernel,
        out_type=jax.ShapeDtypeStruct((NC, nacc), jnp.float32),
        mesh=plsc.VectorSubcoreMesh(core_axis_name="c", subcore_axis_name="s"),
        scratch_types=[
            pltpu.VMEM((n_chunk, K), jnp.int32),
            pltpu.VMEM((K,), jnp.float32),
            pltpu.VMEM((K,), jnp.float32),
            pltpu.SemaphoreType.DMA,
            pltpu.VMEM_SHARED((nacc,), jnp.float32),
        ],
    )(_deg_body)


def _spmm_body(ei_hbm, dinvx_hbm, out_hbm,
               colb, rowb, rows_v, isem, gsem0, gsem1, acc_sh):
    c = lax.axis_index("c")
    s = lax.axis_index("s")
    w = c * NS + s
    n_chunk = ei_hbm.shape[1] // NW
    g_num = n_chunk // WIN
    cb = w * n_chunk
    nacc = acc_sh.shape[0]
    per_tile = nacc // NS
    gsems = [gsem0, gsem1]
    d = rows_v.shape[2]

    def zfill(i, _):
        for k in range(d // 16):
            rows_v[0, i, pl.ds(k * 16, 16)] = jnp.zeros((16,), jnp.float32)
        return 0

    lax.fori_loop(0, K, zfill, 0)
    for i in range(per_tile // K):
        pltpu.sync_copy(rows_v.at[0], acc_sh.at[pl.ds(s * per_tile + i * K, K)])
    plsc.subcore_barrier()

    pltpu.sync_copy(ei_hbm.at[1, pl.ds(cb, WIN)], colb.at[0])
    pltpu.sync_copy(ei_hbm.at[0, pl.ds(cb, WIN)], rowb.at[0])
    if g_num > 1:
        pltpu.async_copy(ei_hbm.at[1, pl.ds(cb + WIN, WIN)], colb.at[1], isem)
        pltpu.async_copy(ei_hbm.at[0, pl.ds(cb + WIN, WIN)], rowb.at[1], isem)
    for b in range(2):
        pltpu.async_copy(dinvx_hbm.at[colb.at[0, b]], rows_v.at[b], gsems[b])

    def win(g, _):
        p = lax.rem(g, 2)

        @pl.when(g + 1 < g_num)
        def _():
            pltpu.make_async_copy(ei_hbm.at[1, pl.ds(0, WIN)], colb.at[0],
                                  isem).wait()
            pltpu.make_async_copy(ei_hbm.at[0, pl.ds(0, WIN)], rowb.at[0],
                                  isem).wait()

        for b in range(WIN):
            rb = b % 2
            pltpu.make_async_copy(
                dinvx_hbm.at[pl.ds(0, K)], rows_v.at[rb], gsems[rb]).wait()
            pltpu.sync_copy(rows_v.at[rb], acc_sh.at[rowb.at[p, b]], add=True)
            if b < WIN - 2:
                pltpu.async_copy(dinvx_hbm.at[colb.at[p, b + 2]],
                                 rows_v.at[rb], gsems[rb])
            else:
                @pl.when(g + 1 < g_num)
                def _():
                    pltpu.async_copy(dinvx_hbm.at[colb.at[1 - p, b - (WIN - 2)]],
                                     rows_v.at[rb], gsems[rb])

        @pl.when(g + 2 < g_num)
        def _():
            pltpu.async_copy(ei_hbm.at[1, pl.ds(cb + (g + 2) * WIN, WIN)],
                             colb.at[p], isem)
            pltpu.async_copy(ei_hbm.at[0, pl.ds(cb + (g + 2) * WIN, WIN)],
                             rowb.at[p], isem)

        return 0

    lax.fori_loop(0, g_num, win, 0)
    plsc.subcore_barrier()
    pltpu.sync_copy(acc_sh.at[pl.ds(s * per_tile, per_tile)],
                    out_hbm.at[c, pl.ds(s * per_tile, per_tile)])


def _make_spmm_kernel(n_chunk, nacc, d):
    return functools.partial(
        pl.kernel,
        out_type=jax.ShapeDtypeStruct((NC, nacc, d), jnp.float32),
        mesh=plsc.VectorSubcoreMesh(core_axis_name="c", subcore_axis_name="s"),
        scratch_types=[
            pltpu.VMEM((2, WIN, K), jnp.int32),
            pltpu.VMEM((2, WIN, K), jnp.int32),
            pltpu.VMEM((2, K, d), jnp.float32),
            pltpu.SemaphoreType.DMA,
            pltpu.SemaphoreType.DMA,
            pltpu.SemaphoreType.DMA,
            pltpu.VMEM_SHARED((nacc, d), jnp.float32),
        ],
    )(_spmm_body)


def _dense_body(x_ref, w_ref, degp_ref, b_ref, dinvx_ref, base_ref):
    sup = jnp.dot(x_ref[...], w_ref[...], preferred_element_type=jnp.float32)
    d = degp_ref[0, :] + degp_ref[1, :]
    dinvx_ref[...] = sup * (1.0 / d)[:, None]
    base_ref[...] = sup * (5.0 / 6.0) + b_ref[...][None, :]


def _combine_body(base_ref, p_ref, out_ref):
    out_ref[...] = base_ref[...] + (p_ref[0] + p_ref[1]) * (1.0 / 6.0)


def kernel(input, edge_index, W, b):
    n, d_feat = input.shape
    d_out = W.shape[1]
    e = edge_index.shape[1]

    ch = -(-e // (NW * K))
    ch = -(-ch // WIN) * WIN
    ep = NW * ch * K
    nacc = -(-(n + 1) // (NS * K)) * (NS * K)

    ei = edge_index
    pad = ep - e
    if pad:
        fill = n + jnp.arange(pad, dtype=jnp.int32) % (nacc - n)
        ei = jnp.concatenate([ei, jnp.stack([fill, fill])], axis=1)
    ei3 = ei.reshape(2, NW * ch, K)

    degp = _make_deg_kernel(ch, nacc)(ei3)

    bm = 2048
    grid = nacc // bm
    dinvx, base = pl.pallas_call(
        _dense_body,
        grid=(grid,),
        in_specs=[
            pl.BlockSpec((bm, d_feat), lambda j: (j, 0)),
            pl.BlockSpec((d_feat, d_out), lambda j: (0, 0)),
            pl.BlockSpec((NC, bm), lambda j: (0, j)),
            pl.BlockSpec((d_out,), lambda j: (0,)),
        ],
        out_specs=[
            pl.BlockSpec((bm, d_out), lambda j: (j, 0)),
            pl.BlockSpec((bm, d_out), lambda j: (j, 0)),
        ],
        out_shape=[
            jax.ShapeDtypeStruct((nacc, d_out), jnp.float32),
            jax.ShapeDtypeStruct((nacc, d_out), jnp.float32),
        ],
    )(input, W, degp, b)

    partials = _make_spmm_kernel(ch, nacc, d_out)(ei3, dinvx)

    bm2 = 2000
    out = pl.pallas_call(
        _combine_body,
        grid=(n // bm2,),
        in_specs=[
            pl.BlockSpec((bm2, d_out), lambda j: (j, 0)),
            pl.BlockSpec((NC, bm2, d_out), lambda j: (0, j, 0)),
        ],
        out_specs=pl.BlockSpec((bm2, d_out), lambda j: (j, 0)),
        out_shape=jax.ShapeDtypeStruct((n, d_out), jnp.float32),
    )(base, partials)
    return out

# --- scband reference (transcript-rebuilt; emitter-appended) ---
"""Pipeline reference for scband-gc-withres-52613349376871 (READ-ONLY COPY).

The authoritative reference and input builder live on the scoring server;
editing this copy changes nothing except your own understanding.
"""

import jax, jax.numpy as jnp
import numpy as np
import math

N = 10000
E = 320000
D_FEAT = 128
D_OUT = 128
SMOOTH = 0.5

def setup_inputs(seed: int = 0) -> dict:
    key = jax.random.key(seed)
    k1, k2, k3, k4 = jax.random.split(key, 4)
    x = jax.random.normal(k1, (N, D_FEAT), dtype=jnp.float32)
    edge_index = jax.random.randint(k2, (2, E), 0, N, dtype=jnp.int32)
    # xavier_uniform with gain=1.414
    gain = 1.414
    limit = gain * math.sqrt(6.0 / (D_FEAT + D_OUT))
    W = jax.random.uniform(k3, (D_FEAT, D_OUT), dtype=jnp.float32, minval=-limit, maxval=limit)
    stdv = 1.0 / math.sqrt(D_OUT)
    b = jax.random.uniform(k4, (D_OUT,), dtype=jnp.float32, minval=-stdv, maxval=stdv)
    return {"input": x, "edge_index": edge_index, "W": W, "b": b}

def reference(input, edge_index, W, b):
    n = input.shape[0]
    support = jnp.dot(input, W)
    row = edge_index[0]
    col = edge_index[1]
    # torch.sparse.sum(adj, 0): sum over rows -> degree per column index
    degrees = jnp.zeros((n,), dtype=support.dtype).at[col].add(1.0)
    Dinv = jnp.power(degrees, -1.0)[:, None]
    D_inv_x = Dinv * support
    # torch.spmm(adj, D_inv_x): out[row] += adj_val * D_inv_x[col], adj values = 1
    W_D_inv_x = jnp.zeros_like(support).at[row].add(D_inv_x[col])
    sctf = 0.5 * support + 0.5 * W_D_inv_x
    output = (support + SMOOTH * sctf) / (1.0 + SMOOTH)
    return output + b

if __name__ == "__main__":
    import jax
    _d = setup_inputs()
    print(jax.jit(kernel)(*tuple(_d.values())))

</pallas_src>

<mosaic_0001>
#map = affine_map<(d0, d1) -> (0, 0, 0)>
#map1 = affine_map<(d0, d1) -> (0, 0)>
module attributes {stable_mosaic.version = 14 : i64} {
  func.func @_spmm_body(%arg0: i32, %arg1: i32, %arg2: memref<2x2560x128xi32, #tpu.memory_space<hbm>>, %arg3: memref<10240x128xf32, #tpu.memory_space<hbm>>, %arg4: memref<2x10240x128xf32, #tpu.memory_space<hbm>>, %arg5: memref<2x8x128xi32, #tpu.memory_space<vmem>>, %arg6: memref<2x8x128xi32, #tpu.memory_space<vmem>>, %arg7: memref<2x128x128xf32, #tpu.memory_space<vmem>>, %arg8: memref<!tpu.dma_semaphore, #tpu.memory_space<semaphore_mem>>, %arg9: memref<!tpu.dma_semaphore, #tpu.memory_space<semaphore_mem>>, %arg10: memref<!tpu.dma_semaphore, #tpu.memory_space<semaphore_mem>>, %arg11: memref<10240x128xf32, #tpu.memory_space<vmem_shared>>) attributes {dimension_semantics = [#tpu.dimension_semantics<core_parallel>, #tpu.dimension_semantics<subcore_parallel>], iteration_bounds = array<i64: 2, 16>, scalar_prefetch = 0 : i64, scratch_operands = 7 : i64, tpu.core_type = #tpu.core_type<sc_vector_subcore>, window_params = [{transform_indices = #map}, {transform_indices = #map1}, {transform_indices = #map}]} {
    %mul3A = arith.constant 16 : i32
    %mul3A_0 = arith.muli %arg0, %mul3A : i32
    %add3A = arith.addi %mul3A_0, %arg1 : i32
    %mul3A_1 = arith.constant 80 : i32
    %mul3A_2 = arith.muli %add3A, %mul3A_1 : i32
    %scan3A = arith.constant 0 : i32
    %scan3A_3 = arith.constant 0 : i32
    %scan3A_4 = arith.constant 128 : i32
    %scan3A_5 = arith.addi %scan3A_3, %scan3A_4 : i32
    %scan3A_6 = arith.constant 1 : i32
    %scan3A_7 = scf.for %scan3A_110 = %scan3A_3 to %scan3A_5 step %scan3A_6 iter_args(%scan3A_111 = %scan3A) -> (i32)  : i32 {
      %broadcast_in_dim3A = arith.constant 0.000000e+00 : f32
      %broadcast_in_dim3A_112 = vector.broadcast %broadcast_in_dim3A : f32 to vector<16xf32>
      %swap3A = arith.constant 0 : i32
      %swap3A_113 = arith.index_cast %swap3A : i32 to index
      %swap3A_114 = arith.index_cast %scan3A_110 : i32 to index
      %swap3A_115 = arith.constant 0 : index
      %swap3A_116 = tpu.vector_load %arg7[%swap3A_113, %swap3A_114, %swap3A_115] {strides = array<i32>} : memref<2x128x128xf32, #tpu.memory_space<vmem>>, vector<1x1x16xf32>,
      %swap3A_117 = vector.shape_cast %swap3A_116 : vector<1x1x16xf32> to vector<16xf32>
      %swap3A_118 = vector.shape_cast %broadcast_in_dim3A_112 : vector<16xf32> to vector<1x1x16xf32>
      tpu.vector_store %arg7[%swap3A_113, %swap3A_114, %swap3A_115], %swap3A_118 {strides = array<i32>} : memref<2x128x128xf32, #tpu.memory_space<vmem>>, vector<1x1x16xf32>,
      %broadcast_in_dim3A_119 = arith.constant 0.000000e+00 : f32
      %broadcast_in_dim3A_120 = vector.broadcast %broadcast_in_dim3A_119 : f32 to vector<16xf32>
      %swap3A_121 = arith.constant 0 : i32
      %swap3A_122 = arith.index_cast %swap3A_121 : i32 to index
      %swap3A_123 = arith.index_cast %scan3A_110 : i32 to index
      %swap3A_124 = arith.constant 16 : index
      %swap3A_125 = tpu.vector_load %arg7[%swap3A_122, %swap3A_123, %swap3A_124] {strides = array<i32>} : memref<2x128x128xf32, #tpu.memory_space<vmem>>, vector<1x1x16xf32>,
      %swap3A_126 = vector.shape_cast %swap3A_125 : vector<1x1x16xf32> to vector<16xf32>
      %swap3A_127 = vector.shape_cast %broadcast_in_dim3A_120 : vector<16xf32> to vector<1x1x16xf32>
      tpu.vector_store %arg7[%swap3A_122, %swap3A_123, %swap3A_124], %swap3A_127 {strides = array<i32>} : memref<2x128x128xf32, #tpu.memory_space<vmem>>, vector<1x1x16xf32>,
      %broadcast_in_dim3A_128 = arith.constant 0.000000e+00 : f32
      %broadcast_in_dim3A_129 = vector.broadcast %broadcast_in_dim3A_128 : f32 to vector<16xf32>
      %swap3A_130 = arith.constant 0 : i32
      %swap3A_131 = arith.index_cast %swap3A_130 : i32 to index
      %swap3A_132 = arith.index_cast %scan3A_110 : i32 to index
      %swap3A_133 = arith.constant 32 : index
      %swap3A_134 = tpu.vector_load %arg7[%swap3A_131, %swap3A_132, %swap3A_133] {strides = array<i32>} : memref<2x128x128xf32, #tpu.memory_space<vmem>>, vector<1x1x16xf32>,
      %swap3A_135 = vector.shape_cast %swap3A_134 : vector<1x1x16xf32> to vector<16xf32>
      %swap3A_136 = vector.shape_cast %broadcast_in_dim3A_129 : vector<16xf32> to vector<1x1x16xf32>
      tpu.vector_store %arg7[%swap3A_131, %swap3A_132, %swap3A_133], %swap3A_136 {strides = array<i32>} : memref<2x128x128xf32, #tpu.memory_space<vmem>>, vector<1x1x16xf32>,
      %broadcast_in_dim3A_137 = arith.constant 0.000000e+00 : f32
      %broadcast_in_dim3A_138 = vector.broadcast %broadcast_in_dim3A_137 : f32 to vector<16xf32>
      %swap3A_139 = arith.constant 0 : i32
      %swap3A_140 = arith.index_cast %swap3A_139 : i32 to index
      %swap3A_141 = arith.index_cast %scan3A_110 : i32 to index
      %swap3A_142 = arith.constant 48 : index
      %swap3A_143 = tpu.vector_load %arg7[%swap3A_140, %swap3A_141, %swap3A_142] {strides = array<i32>} : memref<2x128x128xf32, #tpu.memory_space<vmem>>, vector<1x1x16xf32>,
      %swap3A_144 = vector.shape_cast %swap3A_143 : vector<1x1x16xf32> to vector<16xf32>
      %swap3A_145 = vector.shape_cast %broadcast_in_dim3A_138 : vector<16xf32> to vector<1x1x16xf32>
      tpu.vector_store %arg7[%swap3A_140, %swap3A_141, %swap3A_142], %swap3A_145 {strides = array<i32>} : memref<2x128x128xf32, #tpu.memory_space<vmem>>, vector<1x1x16xf32>,
      %broadcast_in_dim3A_146 = arith.constant 0.000000e+00 : f32
      %broadcast_in_dim3A_147 = vector.broadcast %broadcast_in_dim3A_146 : f32 to vector<16xf32>
      %swap3A_148 = arith.constant 0 : i32
      %swap3A_149 = arith.index_cast %swap3A_148 : i32 to index
      %swap3A_150 = arith.index_cast %scan3A_110 : i32 to index
      %swap3A_151 = arith.constant 64 : index
      %swap3A_152 = tpu.vector_load %arg7[%swap3A_149, %swap3A_150, %swap3A_151] {strides = array<i32>} : memref<2x128x128xf32, #tpu.memory_space<vmem>>, vector<1x1x16xf32>,
      %swap3A_153 = vector.shape_cast %swap3A_152 : vector<1x1x16xf32> to vector<16xf32>
      %swap3A_154 = vector.shape_cast %broadcast_in_dim3A_147 : vector<16xf32> to vector<1x1x16xf32>
      tpu.vector_store %arg7[%swap3A_149, %swap3A_150, %swap3A_151], %swap3A_154 {strides = array<i32>} : memref<2x128x128xf32, #tpu.memory_space<vmem>>, vector<1x1x16xf32>,
      %broadcast_in_dim3A_155 = arith.constant 0.000000e+00 : f32
      %broadcast_in_dim3A_156 = vector.broadcast %broadcast_in_dim3A_155 : f32 to vector<16xf32>
      %swap3A_157 = arith.constant 0 : i32
      %swap3A_158 = arith.index_cast %swap3A_157 : i32 to index
      %swap3A_159 = arith.index_cast %scan3A_110 : i32 to index
      %swap3A_160 = arith.constant 80 : index
      %swap3A_161 = tpu.vector_load %arg7[%swap3A_158, %swap3A_159, %swap3A_160] {strides = array<i32>} : memref<2x128x128xf32, #tpu.memory_space<vmem>>, vector<1x1x16xf32>,
      %swap3A_162 = vector.shape_cast %swap3A_161 : vector<1x1x16xf32> to vector<16xf32>
      %swap3A_163 = vector.shape_cast %broadcast_in_dim3A_156 : vector<16xf32> to vector<1x1x16xf32>
      tpu.vector_store %arg7[%swap3A_158, %swap3A_159, %swap3A_160], %swap3A_163 {strides = array<i32>} : memref<2x128x128xf32, #tpu.memory_space<vmem>>, vector<1x1x16xf32>,
      %broadcast_in_dim3A_164 = arith.constant 0.000000e+00 : f32
      %broadcast_in_dim3A_165 = vector.broadcast %broadcast_in_dim3A_164 : f32 to vector<16xf32>
      %swap3A_166 = arith.constant 0 : i32
      %swap3A_167 = arith.index_cast %swap3A_166 : i32 to index
      %swap3A_168 = arith.index_cast %scan3A_110 : i32 to index
      %swap3A_169 = arith.constant 96 : index
      %swap3A_170 = tpu.vector_load %arg7[%swap3A_167, %swap3A_168, %swap3A_169] {strides = array<i32>} : memref<2x128x128xf32, #tpu.memory_space<vmem>>, vector<1x1x16xf32>,
      %swap3A_171 = vector.shape_cast %swap3A_170 : vector<1x1x16xf32> to vector<16xf32>
      %swap3A_172 = vector.shape_cast %broadcast_in_dim3A_165 : vector<16xf32> to vector<1x1x16xf32>
      tpu.vector_store %arg7[%swap3A_167, %swap3A_168, %swap3A_169], %swap3A_172 {strides = array<i32>} : memref<2x128x128xf32, #tpu.memory_space<vmem>>, vector<1x1x16xf32>,
      %broadcast_in_dim3A_173 = arith.constant 0.000000e+00 : f32
      %broadcast_in_dim3A_174 = vector.broadcast %broadcast_in_dim3A_173 : f32 to vector<16xf32>
      %swap3A_175 = arith.constant 0 : i32
      %swap3A_176 = arith.index_cast %swap3A_175 : i32 to index
      %swap3A_177 = arith.index_cast %scan3A_110 : i32 to index
      %swap3A_178 = arith.constant 112 : index
      %swap3A_179 = tpu.vector_load %arg7[%swap3A_176, %swap3A_177, %swap3A_178] {strides = array<i32>} : memref<2x128x128xf32, #tpu.memory_space<vmem>>, vector<1x1x16xf32>,
      %swap3A_180 = vector.shape_cast %swap3A_179 : vector<1x1x16xf32> to vector<16xf32>
      %swap3A_181 = vector.shape_cast %broadcast_in_dim3A_174 : vector<16xf32> to vector<1x1x16xf32>
      tpu.vector_store %arg7[%swap3A_176, %swap3A_177, %swap3A_178], %swap3A_181 {strides = array<i32>} : memref<2x128x128xf32, #tpu.memory_space<vmem>>, vector<1x1x16xf32>,
      %scan3A_182 = arith.constant 0 : i32
      scf.yield %scan3A_182 : i32
    }
    %scan3A_8 = arith.constant 128 : i32
    %mul3A_9 = arith.constant 640 : i32
    %mul3A_10 = arith.muli %arg1, %mul3A_9 : i32
    %add3A_11 = arith.constant 0 : i32
    %add3A_12 = arith.addi %mul3A_10, %add3A_11 : i32
    %run_scoped3A = arith.constant 0 : i32
    "tpu.region"() ({
      %run_scoped3A_110 = tpu.sem_alloc : memref<!tpu.dma_semaphore, #tpu.memory_space<semaphore_mem>>
      %dma_start3A_111 = arith.constant 0 : i32
      %dma_start3A_112 = arith.constant 0 : i32
      %dma_start3A_113 = tpu.memref_slice %arg7[%run_scoped3A, %dma_start3A_111, %dma_start3A_112] : memref<2x128x128xf32, #tpu.memory_space<vmem>> -> memref<1x128x128xf32, #tpu.memory_space<vmem>>
      %dma_start3A_114 = tpu.memref_squeeze %dma_start3A_113 : memref<1x128x128xf32, #tpu.memory_space<vmem>> -> memref<128x128xf32, #tpu.memory_space<vmem>>
      %dma_start3A_115 = arith.constant 0 : i32
      %dma_start3A_116 = tpu.memref_slice %arg11[%add3A_12, %dma_start3A_115] : memref<10240x128xf32, #tpu.memory_space<vmem_shared>> -> memref<128x128xf32, #tpu.memory_space<vmem_shared>>
      %dma_start3A_117 = arith.constant 0 : i32
      %dma_start3A_118 = tpu.memref_slice %arg11[%add3A_12, %dma_start3A_117] : memref<10240x128xf32, #tpu.memory_space<vmem_shared>> -> memref<128x128xf32, #tpu.memory_space<vmem_shared>>
      %dma_start3A_119 = arith.constant 0 : i32
      %dma_start3A_120 = arith.constant 0 : i32
      %dma_start3A_121 = tpu.memref_slice %arg7[%run_scoped3A, %dma_start3A_119, %dma_start3A_120] : memref<2x128x128xf32, #tpu.memory_space<vmem>> -> memref<1x128x128xf32, #tpu.memory_space<vmem>>
      %dma_start3A_122 = tpu.memref_squeeze %dma_start3A_121 : memref<1x128x128xf32, #tpu.memory_space<vmem>> -> memref<128x128xf32, #tpu.memory_space<vmem>>
      tpu.enqueue_dma source(%dma_start3A_122 : memref<128x128xf32, #tpu.memory_space<vmem>>) target(%dma_start3A_118 : memref<128x128xf32, #tpu.memory_space<vmem_shared>>) target_semaphore(%run_scoped3A_110 : memref<!tpu.dma_semaphore, #tpu.memory_space<semaphore_mem>>)
      %dma_wait3A = arith.constant 0 : i32
      %dma_wait3A_123 = arith.constant 0 : i32
      %dma_wait3A_124 = tpu.memref_slice %arg7[%run_scoped3A, %dma_wait3A, %dma_wait3A_123] : memref<2x128x128xf32, #tpu.memory_space<vmem>> -> memref<1x128x128xf32, #tpu.memory_space<vmem>>
      %dma_wait3A_125 = tpu.memref_squeeze %dma_wait3A_124 : memref<1x128x128xf32, #tpu.memory_space<vmem>> -> memref<128x128xf32, #tpu.memory_space<vmem>>
      %dma_wait3A_126 = arith.constant 0 : i32
      %dma_wait3A_127 = tpu.memref_slice %arg11[%add3A_12, %dma_wait3A_126] : memref<10240x128xf32, #tpu.memory_space<vmem_shared>> -> memref<128x128xf32, #tpu.memory_space<vmem_shared>>
      %dma_wait3A_128 = arith.constant 0 : i32
      %dma_wait3A_129 = tpu.memref_slice %arg11[%add3A_12, %dma_wait3A_128] : memref<10240x128xf32, #tpu.memory_space<vmem_shared>> -> memref<128x128xf32, #tpu.memory_space<vmem_shared>>
      %dma_wait3A_130 = arith.constant 0 : i32
      %dma_wait3A_131 = arith.constant 0 : i32
      %dma_wait3A_132 = tpu.memref_slice %arg7[%run_scoped3A, %dma_wait3A_130, %dma_wait3A_131] : memref<2x128x128xf32, #tpu.memory_space<vmem>> -> memref<1x128x128xf32, #tpu.memory_space<vmem>>
      %dma_wait3A_133 = tpu.memref_squeeze %dma_wait3A_132 : memref<1x128x128xf32, #tpu.memory_space<vmem>> -> memref<128x128xf32, #tpu.memory_space<vmem>>
      tpu.wait_dma2 semaphore(%run_scoped3A_110 : memref<!tpu.dma_semaphore, #tpu.memory_space<semaphore_mem>>) src(%dma_wait3A_133 : memref<128x128xf32, #tpu.memory_space<vmem>>) dst(%dma_wait3A_129 : memref<128x128xf32, #tpu.memory_space<vmem_shared>>)
      tpu.yield
    }) : () -> ()
    %mul3A_13 = arith.constant 640 : i32
    %mul3A_14 = arith.muli %arg1, %mul3A_13 : i32
    %add3A_15 = arith.constant 128 : i32
    %add3A_16 = arith.addi %mul3A_14, %add3A_15 : i32
    %run_scoped3A_17 = arith.constant 0 : i32
    "tpu.region"() ({
      %run_scoped3A_110 = tpu.sem_alloc : memref<!tpu.dma_semaphore, #tpu.memory_space<semaphore_mem>>
      %dma_start3A_111 = arith.constant 0 : i32
      %dma_start3A_112 = arith.constant 0 : i32
      %dma_start3A_113 = tpu.memref_slice %arg7[%run_scoped3A_17, %dma_start3A_111, %dma_start3A_112] : memref<2x128x128xf32, #tpu.memory_space<vmem>> -> memref<1x128x128xf32, #tpu.memory_space<vmem>>
      %dma_start3A_114 = tpu.memref_squeeze %dma_start3A_113 : memref<1x128x128xf32, #tpu.memory_space<vmem>> -> memref<128x128xf32, #tpu.memory_space<vmem>>
      %dma_start3A_115 = arith.constant 0 : i32
      %dma_start3A_116 = tpu.memref_slice %arg11[%add3A_16, %dma_start3A_115] : memref<10240x128xf32, #tpu.memory_space<vmem_shared>> -> memref<128x128xf32, #tpu.memory_space<vmem_shared>>
      %dma_start3A_117 = arith.constant 0 : i32
      %dma_start3A_118 = tpu.memref_slice %arg11[%add3A_16, %dma_start3A_117] : memref<10240x128xf32, #tpu.memory_space<vmem_shared>> -> memref<128x128xf32, #tpu.memory_space<vmem_shared>>
      %dma_start3A_119 = arith.constant 0 : i32
      %dma_start3A_120 = arith.constant 0 : i32
      %dma_start3A_121 = tpu.memref_slice %arg7[%run_scoped3A_17, %dma_start3A_119, %dma_start3A_120] : memref<2x128x128xf32, #tpu.memory_space<vmem>> -> memref<1x128x128xf32, #tpu.memory_space<vmem>>
      %dma_start3A_122 = tpu.memref_squeeze %dma_start3A_121 : memref<1x128x128xf32, #tpu.memory_space<vmem>> -> memref<128x128xf32, #tpu.memory_space<vmem>>
      tpu.enqueue_dma source(%dma_start3A_122 : memref<128x128xf32, #tpu.memory_space<vmem>>) target(%dma_start3A_118 : memref<128x128xf32, #tpu.memory_space<vmem_shared>>) target_semaphore(%run_scoped3A_110 : memref<!tpu.dma_semaphore, #tpu.memory_space<semaphore_mem>>)
      %dma_wait3A = arith.constant 0 : i32
      %dma_wait3A_123 = arith.constant 0 : i32
      %dma_wait3A_124 = tpu.memref_slice %arg7[%run_scoped3A_17, %dma_wait3A, %dma_wait3A_123] : memref<2x128x128xf32, #tpu.memory_space<vmem>> -> memref<1x128x128xf32, #tpu.memory_space<vmem>>
      %dma_wait3A_125 = tpu.memref_squeeze %dma_wait3A_124 : memref<1x128x128xf32, #tpu.memory_space<vmem>> -> memref<128x128xf32, #tpu.memory_space<vmem>>
      %dma_wait3A_126 = arith.constant 0 : i32
      %dma_wait3A_127 = tpu.memref_slice %arg11[%add3A_16, %dma_wait3A_126] : memref<10240x128xf32, #tpu.memory_space<vmem_shared>> -> memref<128x128xf32, #tpu.memory_space<vmem_shared>>
      %dma_wait3A_128 = arith.constant 0 : i32
      %dma_wait3A_129 = tpu.memref_slice %arg11[%add3A_16, %dma_wait3A_128] : memref<10240x128xf32, #tpu.memory_space<vmem_shared>> -> memref<128x128xf32, #tpu.memory_space<vmem_shared>>
      %dma_wait3A_130 = arith.constant 0 : i32
      %dma_wait3A_131 = arith.constant 0 : i32
      %dma_wait3A_132 = tpu.memref_slice %arg7[%run_scoped3A_17, %dma_wait3A_130, %dma_wait3A_131] : memref<2x128x128xf32, #tpu.memory_space<vmem>> -> memref<1x128x128xf32, #tpu.memory_space<vmem>>
      %dma_wait3A_133 = tpu.memref_squeeze %dma_wait3A_132 : memref<1x128x128xf32, #tpu.memory_space<vmem>> -> memref<128x128xf32, #tpu.memory_space<vmem>>
      tpu.wait_dma2 semaphore(%run_scoped3A_110 : memref<!tpu.dma_semaphore, #tpu.memory_space<semaphore_mem>>) src(%dma_wait3A_133 : memref<128x128xf32, #tpu.memory_space<vmem>>) dst(%dma_wait3A_129 : memref<128x128xf32, #tpu.memory_space<vmem_shared>>)
      tpu.yield
    }) : () -> ()
    %mul3A_18 = arith.constant 640 : i32
    %mul3A_19 = arith.muli %arg1, %mul3A_18 : i32
    %add3A_20 = arith.constant 256 : i32
    %add3A_21 = arith.addi %mul3A_19, %add3A_20 : i32
    %run_scoped3A_22 = arith.constant 0 : i32
    "tpu.region"() ({
      %run_scoped3A_110 = tpu.sem_alloc : memref<!tpu.dma_semaphore, #tpu.memory_space<semaphore_mem>>
      %dma_start3A_111 = arith.constant 0 : i32
      %dma_start3A_112 = arith.constant 0 : i32
      %dma_start3A_113 = tpu.memref_slice %arg7[%run_scoped3A_22, %dma_start3A_111, %dma_start3A_112] : memref<2x128x128xf32, #tpu.memory_space<vmem>> -> memref<1x128x128xf32, #tpu.memory_space<vmem>>
      %dma_start3A_114 = tpu.memref_squeeze %dma_start3A_113 : memref<1x128x128xf32, #tpu.memory_space<vmem>> -> memref<128x128xf32, #tpu.memory_space<vmem>>
      %dma_start3A_115 = arith.constant 0 : i32
      %dma_start3A_116 = tpu.memref_slice %arg11[%add3A_21, %dma_start3A_115] : memref<10240x128xf32, #tpu.memory_space<vmem_shared>> -> memref<128x128xf32, #tpu.memory_space<vmem_shared>>
      %dma_start3A_117 = arith.constant 0 : i32
      %dma_start3A_118 = tpu.memref_slice %arg11[%add3A_21, %dma_start3A_117] : memref<10240x128xf32, #tpu.memory_space<vmem_shared>> -> memref<128x128xf32, #tpu.memory_space<vmem_shared>>
      %dma_start3A_119 = arith.constant 0 : i32
      %dma_start3A_120 = arith.constant 0 : i32
      %dma_start3A_121 = tpu.memref_slice %arg7[%run_scoped3A_22, %dma_start3A_119, %dma_start3A_120] : memref<2x128x128xf32, #tpu.memory_space<vmem>> -> memref<1x128x128xf32, #tpu.memory_space<vmem>>
      %dma_start3A_122 = tpu.memref_squeeze %dma_start3A_121 : memref<1x128x128xf32, #tpu.memory_space<vmem>> -> memref<128x128xf32, #tpu.memory_space<vmem>>
      tpu.enqueue_dma source(%dma_start3A_122 : memref<128x128xf32, #tpu.memory_space<vmem>>) target(%dma_start3A_118 : memref<128x128xf32, #tpu.memory_space<vmem_shared>>) target_semaphore(%run_scoped3A_110 : memref<!tpu.dma_semaphore, #tpu.memory_space<semaphore_mem>>)
      %dma_wait3A = arith.constant 0 : i32
      %dma_wait3A_123 = arith.constant 0 : i32
      %dma_wait3A_124 = tpu.memref_slice %arg7[%run_scoped3A_22, %dma_wait3A, %dma_wait3A_123] : memref<2x128x128xf32, #tpu.memory_space<vmem>> -> memref<1x128x128xf32, #tpu.memory_space<vmem>>
      %dma_wait3A_125 = tpu.memref_squeeze %dma_wait3A_124 : memref<1x128x128xf32, #tpu.memory_space<vmem>> -> memref<128x128xf32, #tpu.memory_space<vmem>>
      %dma_wait3A_126 = arith.constant 0 : i32
      %dma_wait3A_127 = tpu.memref_slice %arg11[%add3A_21, %dma_wait3A_126] : memref<10240x128xf32, #tpu.memory_space<vmem_shared>> -> memref<128x128xf32, #tpu.memory_space<vmem_shared>>
      %dma_wait3A_128 = arith.constant 0 : i32
      %dma_wait3A_129 = tpu.memref_slice %arg11[%add3A_21, %dma_wait3A_128] : memref<10240x128xf32, #tpu.memory_space<vmem_shared>> -> memref<128x128xf32, #tpu.memory_space<vmem_shared>>
      %dma_wait3A_130 = arith.constant 0 : i32
      %dma_wait3A_131 = arith.constant 0 : i32
      %dma_wait3A_132 = tpu.memref_slice %arg7[%run_scoped3A_22, %dma_wait3A_130, %dma_wait3A_131] : memref<2x128x128xf32, #tpu.memory_space<vmem>> -> memref<1x128x128xf32, #tpu.memory_space<vmem>>
      %dma_wait3A_133 = tpu.memref_squeeze %dma_wait3A_132 : memref<1x128x128xf32, #tpu.memory_space<vmem>> -> memref<128x128xf32, #tpu.memory_space<vmem>>
      tpu.wait_dma2 semaphore(%run_scoped3A_110 : memref<!tpu.dma_semaphore, #tpu.memory_space<semaphore_mem>>) src(%dma_wait3A_133 : memref<128x128xf32, #tpu.memory_space<vmem>>) dst(%dma_wait3A_129 : memref<128x128xf32, #tpu.memory_space<vmem_shared>>)
      tpu.yield
    }) : () -> ()
    %mul3A_23 = arith.constant 640 : i32
    %mul3A_24 = arith.muli %arg1, %mul3A_23 : i32
    %add3A_25 = arith.constant 384 : i32
    %add3A_26 = arith.addi %mul3A_24, %add3A_25 : i32
    %run_scoped3A_27 = arith.constant 0 : i32
    "tpu.region"() ({
      %run_scoped3A_110 = tpu.sem_alloc : memref<!tpu.dma_semaphore, #tpu.memory_space<semaphore_mem>>
      %dma_start3A_111 = arith.constant 0 : i32
      %dma_start3A_112 = arith.constant 0 : i32
      %dma_start3A_113 = tpu.memref_slice %arg7[%run_scoped3A_27, %dma_start3A_111, %dma_start3A_112] : memref<2x128x128xf32, #tpu.memory_space<vmem>> -> memref<1x128x128xf32, #tpu.memory_space<vmem>>
      %dma_start3A_114 = tpu.memref_squeeze %dma_start3A_113 : memref<1x128x128xf32, #tpu.memory_space<vmem>> -> memref<128x128xf32, #tpu.memory_space<vmem>>
      %dma_start3A_115 = arith.constant 0 : i32
      %dma_start3A_116 = tpu.memref_slice %arg11[%add3A_26, %dma_start3A_115] : memref<10240x128xf32, #tpu.memory_space<vmem_shared>> -> memref<128x128xf32, #tpu.memory_space<vmem_shared>>
      %dma_start3A_117 = arith.constant 0 : i32
      %dma_start3A_118 = tpu.memref_slice %arg11[%add3A_26, %dma_start3A_117] : memref<10240x128xf32, #tpu.memory_space<vmem_shared>> -> memref<128x128xf32, #tpu.memory_space<vmem_shared>>
      %dma_start3A_119 = arith.constant 0 : i32
      %dma_start3A_120 = arith.constant 0 : i32
      %dma_start3A_121 = tpu.memref_slice %arg7[%run_scoped3A_27, %dma_start3A_119, %dma_start3A_120] : memref<2x128x128xf32, #tpu.memory_space<vmem>> -> memref<1x128x128xf32, #tpu.memory_space<vmem>>
      %dma_start3A_122 = tpu.memref_squeeze %dma_start3A_121 : memref<1x128x128xf32, #tpu.memory_space<vmem>> -> memref<128x128xf32, #tpu.memory_space<vmem>>
      tpu.enqueue_dma source(%dma_start3A_122 : memref<128x128xf32, #tpu.memory_space<vmem>>) target(%dma_start3A_118 : memref<128x128xf32, #tpu.memory_space<vmem_shared>>) target_semaphore(%run_scoped3A_110 : memref<!tpu.dma_semaphore, #tpu.memory_space<semaphore_mem>>)
      %dma_wait3A = arith.constant 0 : i32
      %dma_wait3A_123 = arith.constant 0 : i32
      %dma_wait3A_124 = tpu.memref_slice %arg7[%run_scoped3A_27, %dma_wait3A, %dma_wait3A_123] : memref<2x128x128xf32, #tpu.memory_space<vmem>> -> memref<1x128x128xf32, #tpu.memory_space<vmem>>
      %dma_wait3A_125 = tpu.memref_squeeze %dma_wait3A_124 : memref<1x128x128xf32, #tpu.memory_space<vmem>> -> memref<128x128xf32, #tpu.memory_space<vmem>>
      %dma_wait3A_126 = arith.constant 0 : i32
      %dma_wait3A_127 = tpu.memref_slice %arg11[%add3A_26, %dma_wait3A_126] : memref<10240x128xf32, #tpu.memory_space<vmem_shared>> -> memref<128x128xf32, #tpu.memory_space<vmem_shared>>
      %dma_wait3A_128 = arith.constant 0 : i32
      %dma_wait3A_129 = tpu.memref_slice %arg11[%add3A_26, %dma_wait3A_128] : memref<10240x128xf32, #tpu.memory_space<vmem_shared>> -> memref<128x128xf32, #tpu.memory_space<vmem_shared>>
      %dma_wait3A_130 = arith.constant 0 : i32
      %dma_wait3A_131 = arith.constant 0 : i32
      %dma_wait3A_132 = tpu.memref_slice %arg7[%run_scoped3A_27, %dma_wait3A_130, %dma_wait3A_131] : memref<2x128x128xf32, #tpu.memory_space<vmem>> -> memref<1x128x128xf32, #tpu.memory_space<vmem>>
      %dma_wait3A_133 = tpu.memref_squeeze %dma_wait3A_132 : memref<1x128x128xf32, #tpu.memory_space<vmem>> -> memref<128x128xf32, #tpu.memory_space<vmem>>
      tpu.wait_dma2 semaphore(%run_scoped3A_110 : memref<!tpu.dma_semaphore, #tpu.memory_space<semaphore_mem>>) src(%dma_wait3A_133 : memref<128x128xf32, #tpu.memory_space<vmem>>) dst(%dma_wait3A_129 : memref<128x128xf32, #tpu.memory_space<vmem_shared>>)
      tpu.yield
    }) : () -> ()
    %mul3A_28 = arith.constant 640 : i32
    %mul3A_29 = arith.muli %arg1, %mul3A_28 : i32
    %add3A_30 = arith.constant 512 : i32
    %add3A_31 = arith.addi %mul3A_29, %add3A_30 : i32
    %run_scoped3A_32 = arith.constant 0 : i32
    "tpu.region"() ({
      %run_scoped3A_110 = tpu.sem_alloc : memref<!tpu.dma_semaphore, #tpu.memory_space<semaphore_mem>>
      %dma_start3A_111 = arith.constant 0 : i32
      %dma_start3A_112 = arith.constant 0 : i32
      %dma_start3A_113 = tpu.memref_slice %arg7[%run_scoped3A_32, %dma_start3A_111, %dma_start3A_112] : memref<2x128x128xf32, #tpu.memory_space<vmem>> -> memref<1x128x128xf32, #tpu.memory_space<vmem>>
      %dma_start3A_114 = tpu.memref_squeeze %dma_start3A_113 : memref<1x128x128xf32, #tpu.memory_space<vmem>> -> memref<128x128xf32, #tpu.memory_space<vmem>>
      %dma_start3A_115 = arith.constant 0 : i32
      %dma_start3A_116 = tpu.memref_slice %arg11[%add3A_31, %dma_start3A_115] : memref<10240x128xf32, #tpu.memory_space<vmem_shared>> -> memref<128x128xf32, #tpu.memory_space<vmem_shared>>
      %dma_start3A_117 = arith.constant 0 : i32
      %dma_start3A_118 = tpu.memref_slice %arg11[%add3A_31, %dma_start3A_117] : memref<10240x128xf32, #tpu.memory_space<vmem_shared>> -> memref<128x128xf32, #tpu.memory_space<vmem_shared>>
      %dma_start3A_119 = arith.constant 0 : i32
      %dma_start3A_120 = arith.constant 0 : i32
      %dma_start3A_121 = tpu.memref_slice %arg7[%run_scoped3A_32, %dma_start3A_119, %dma_start3A_120] : memref<2x128x128xf32, #tpu.memory_space<vmem>> -> memref<1x128x128xf32, #tpu.memory_space<vmem>>
      %dma_start3A_122 = tpu.memref_squeeze %dma_start3A_121 : memref<1x128x128xf32, #tpu.memory_space<vmem>> -> memref<128x128xf32, #tpu.memory_space<vmem>>
      tpu.enqueue_dma source(%dma_start3A_122 : memref<128x128xf32, #tpu.memory_space<vmem>>) target(%dma_start3A_118 : memref<128x128xf32, #tpu.memory_space<vmem_shared>>) target_semaphore(%run_scoped3A_110 : memref<!tpu.dma_semaphore, #tpu.memory_space<semaphore_mem>>)
      %dma_wait3A = arith.constant 0 : i32
      %dma_wait3A_123 = arith.constant 0 : i32
      %dma_wait3A_124 = tpu.memref_slice %arg7[%run_scoped3A_32, %dma_wait3A, %dma_wait3A_123] : memref<2x128x128xf32, #tpu.memory_space<vmem>> -> memref<1x128x128xf32, #tpu.memory_space<vmem>>
      %dma_wait3A_125 = tpu.memref_squeeze %dma_wait3A_124 : memref<1x128x128xf32, #tpu.memory_space<vmem>> -> memref<128x128xf32, #tpu.memory_space<vmem>>
      %dma_wait3A_126 = arith.constant 0 : i32
      %dma_wait3A_127 = tpu.memref_slice %arg11[%add3A_31, %dma_wait3A_126] : memref<10240x128xf32, #tpu.memory_space<vmem_shared>> -> memref<128x128xf32, #tpu.memory_space<vmem_shared>>
      %dma_wait3A_128 = arith.constant 0 : i32
      %dma_wait3A_129 = tpu.memref_slice %arg11[%add3A_31, %dma_wait3A_128] : memref<10240x128xf32, #tpu.memory_space<vmem_shared>> -> memref<128x128xf32, #tpu.memory_space<vmem_shared>>
      %dma_wait3A_130 = arith.constant 0 : i32
      %dma_wait3A_131 = arith.constant 0 : i32
      %dma_wait3A_132 = tpu.memref_slice %arg7[%run_scoped3A_32, %dma_wait3A_130, %dma_wait3A_131] : memref<2x128x128xf32, #tpu.memory_space<vmem>> -> memref<1x128x128xf32, #tpu.memory_space<vmem>>
      %dma_wait3A_133 = tpu.memref_squeeze %dma_wait3A_132 : memref<1x128x128xf32, #tpu.memory_space<vmem>> -> memref<128x128xf32, #tpu.memory_space<vmem>>
      tpu.wait_dma2 semaphore(%run_scoped3A_110 : memref<!tpu.dma_semaphore, #tpu.memory_space<semaphore_mem>>) src(%dma_wait3A_133 : memref<128x128xf32, #tpu.memory_space<vmem>>) dst(%dma_wait3A_129 : memref<128x128xf32, #tpu.memory_space<vmem_shared>>)
      tpu.yield
    }) : () -> ()
    %barrier3A = arith.constant 0 : index
    tpu.barrier barrier_id(%barrier3A)
    %run_scoped3A_33 = arith.constant 1 : i32
    %run_scoped3A_34 = arith.constant 0 : i32
    "tpu.region"() ({
      %run_scoped3A_110 = tpu.sem_alloc : memref<!tpu.dma_semaphore, #tpu.memory_space<semaphore_mem>>
      %dma_start3A_111 = arith.constant 0 : i32
      %dma_start3A_112 = arith.constant 0 : i32
      %dma_start3A_113 = tpu.memref_slice %arg5[%run_scoped3A_34, %dma_start3A_111, %dma_start3A_112] : memref<2x8x128xi32, #tpu.memory_space<vmem>> -> memref<1x8x128xi32, #tpu.memory_space<vmem>>
      %dma_start3A_114 = tpu.memref_squeeze %dma_start3A_113 : memref<1x8x128xi32, #tpu.memory_space<vmem>> -> memref<8x128xi32, #tpu.memory_space<vmem>>
      %dma_start3A_115 = arith.constant 0 : i32
      %dma_start3A_116 = tpu.memref_slice %arg2[%run_scoped3A_33, %mul3A_2, %dma_start3A_115] : memref<2x2560x128xi32, #tpu.memory_space<hbm>> -> memref<1x8x128xi32, #tpu.memory_space<hbm>>
      %dma_start3A_117 = tpu.memref_squeeze %dma_start3A_116 : memref<1x8x128xi32, #tpu.memory_space<hbm>> -> memref<8x128xi32, #tpu.memory_space<hbm>>
      %dma_start3A_118 = arith.constant 0 : i32
      %dma_start3A_119 = arith.constant 0 : i32
      %dma_start3A_120 = tpu.memref_slice %arg5[%run_scoped3A_34, %dma_start3A_118, %dma_start3A_119] : memref<2x8x128xi32, #tpu.memory_space<vmem>> -> memref<1x8x128xi32, #tpu.memory_space<vmem>>
      %dma_start3A_121 = tpu.memref_squeeze %dma_start3A_120 : memref<1x8x128xi32, #tpu.memory_space<vmem>> -> memref<8x128xi32, #tpu.memory_space<vmem>>
      %dma_start3A_122 = arith.constant 0 : i32
      %dma_start3A_123 = tpu.memref_slice %arg2[%run_scoped3A_33, %mul3A_2, %dma_start3A_122] : memref<2x2560x128xi32, #tpu.memory_space<hbm>> -> memref<1x8x128xi32, #tpu.memory_space<hbm>>
      %dma_start3A_124 = tpu.memref_squeeze %dma_start3A_123 : memref<1x8x128xi32, #tpu.memory_space<hbm>> -> memref<8x128xi32, #tpu.memory_space<hbm>>
      tpu.enqueue_dma source(%dma_start3A_124 : memref<8x128xi32, #tpu.memory_space<hbm>>) target(%dma_start3A_121 : memref<8x128xi32, #tpu.memory_space<vmem>>) target_semaphore(%run_scoped3A_110 : memref<!tpu.dma_semaphore, #tpu.memory_space<semaphore_mem>>)
      %dma_wait3A = arith.constant 0 : i32
      %dma_wait3A_125 = arith.constant 0 : i32
      %dma_wait3A_126 = tpu.memref_slice %arg5[%run_scoped3A_34, %dma_wait3A, %dma_wait3A_125] : memref<2x8x128xi32, #tpu.memory_space<vmem>> -> memref<1x8x128xi32, #tpu.memory_space<vmem>>
      %dma_wait3A_127 = tpu.memref_squeeze %dma_wait3A_126 : memref<1x8x128xi32, #tpu.memory_space<vmem>> -> memref<8x128xi32, #tpu.memory_space<vmem>>
      %dma_wait3A_128 = arith.constant 0 : i32
      %dma_wait3A_129 = tpu.memref_slice %arg2[%run_scoped3A_33, %mul3A_2, %dma_wait3A_128] : memref<2x2560x128xi32, #tpu.memory_space<hbm>> -> memref<1x8x128xi32, #tpu.memory_space<hbm>>
      %dma_wait3A_130 = tpu.memref_squeeze %dma_wait3A_129 : memref<1x8x128xi32, #tpu.memory_space<hbm>> -> memref<8x128xi32, #tpu.memory_space<hbm>>
      %dma_wait3A_131 = arith.constant 0 : i32
      %dma_wait3A_132 = arith.constant 0 : i32
      %dma_wait3A_133 = tpu.memref_slice %arg5[%run_scoped3A_34, %dma_wait3A_131, %dma_wait3A_132] : memref<2x8x128xi32, #tpu.memory_space<vmem>> -> memref<1x8x128xi32, #tpu.memory_space<vmem>>
      %dma_wait3A_134 = tpu.memref_squeeze %dma_wait3A_133 : memref<1x8x128xi32, #tpu.memory_space<vmem>> -> memref<8x128xi32, #tpu.memory_space<vmem>>
      %dma_wait3A_135 = arith.constant 0 : i32
      %dma_wait3A_136 = tpu.memref_slice %arg2[%run_scoped3A_33, %mul3A_2, %dma_wait3A_135] : memref<2x2560x128xi32, #tpu.memory_space<hbm>> -> memref<1x8x128xi32, #tpu.memory_space<hbm>>
      %dma_wait3A_137 = tpu.memref_squeeze %dma_wait3A_136 : memref<1x8x128xi32, #tpu.memory_space<hbm>> -> memref<8x128xi32, #tpu.memory_space<hbm>>
      tpu.wait_dma2 semaphore(%run_scoped3A_110 : memref<!tpu.dma_semaphore, #tpu.memory_space<semaphore_mem>>) src(%dma_wait3A_137 : memref<8x128xi32, #tpu.memory_space<hbm>>) dst(%dma_wait3A_134 : memref<8x128xi32, #tpu.memory_space<vmem>>)
      tpu.yield
    }) : () -> ()
    %run_scoped3A_35 = arith.constant 0 : i32
    %run_scoped3A_36 = arith.constant 0 : i32
    "tpu.region"() ({
      %run_scoped3A_110 = tpu.sem_alloc : memref<!tpu.dma_semaphore, #tpu.memory_space<semaphore_mem>>
      %dma_start3A_111 = arith.constant 0 : i32
      %dma_start3A_112 = arith.constant 0 : i32
      %dma_start3A_113 = tpu.memref_slice %arg6[%run_scoped3A_36, %dma_start3A_111, %dma_start3A_112] : memref<2x8x128xi32, #tpu.memory_space<vmem>> -> memref<1x8x128xi32, #tpu.memory_space<vmem>>
      %dma_start3A_114 = tpu.memref_squeeze %dma_start3A_113 : memref<1x8x128xi32, #tpu.memory_space<vmem>> -> memref<8x128xi32, #tpu.memory_space<vmem>>
      %dma_start3A_115 = arith.constant 0 : i32
      %dma_start3A_116 = tpu.memref_slice %arg2[%run_scoped3A_35, %mul3A_2, %dma_start3A_115] : memref<2x2560x128xi32, #tpu.memory_space<hbm>> -> memref<1x8x128xi32, #tpu.memory_space<hbm>>
      %dma_start3A_117 = tpu.memref_squeeze %dma_start3A_116 : memref<1x8x128xi32, #tpu.memory_space<hbm>> -> memref<8x128xi32, #tpu.memory_space<hbm>>
      %dma_start3A_118 = arith.constant 0 : i32
      %dma_start3A_119 = arith.constant 0 : i32
      %dma_start3A_120 = tpu.memref_slice %arg6[%run_scoped3A_36, %dma_start3A_118, %dma_start3A_119] : memref<2x8x128xi32, #tpu.memory_space<vmem>> -> memref<1x8x128xi32, #tpu.memory_space<vmem>>
      %dma_start3A_121 = tpu.memref_squeeze %dma_start3A_120 : memref<1x8x128xi32, #tpu.memory_space<vmem>> -> memref<8x128xi32, #tpu.memory_space<vmem>>
      %dma_start3A_122 = arith.constant 0 : i32
      %dma_start3A_123 = tpu.memref_slice %arg2[%run_scoped3A_35, %mul3A_2, %dma_start3A_122] : memref<2x2560x128xi32, #tpu.memory_space<hbm>> -> memref<1x8x128xi32, #tpu.memory_space<hbm>>
      %dma_start3A_124 = tpu.memref_squeeze %dma_start3A_123 : memref<1x8x128xi32, #tpu.memory_space<hbm>> -> memref<8x128xi32, #tpu.memory_space<hbm>>
      tpu.enqueue_dma source(%dma_start3A_124 : memref<8x128xi32, #tpu.memory_space<hbm>>) target(%dma_start3A_121 : memref<8x128xi32, #tpu.memory_space<vmem>>) target_semaphore(%run_scoped3A_110 : memref<!tpu.dma_semaphore, #tpu.memory_space<semaphore_mem>>)
      %dma_wait3A = arith.constant 0 : i32
      %dma_wait3A_125 = arith.constant 0 : i32
      %dma_wait3A_126 = tpu.memref_slice %arg6[%run_scoped3A_36, %dma_wait3A, %dma_wait3A_125] : memref<2x8x128xi32, #tpu.memory_space<vmem>> -> memref<1x8x128xi32, #tpu.memory_space<vmem>>
      %dma_wait3A_127 = tpu.memref_squeeze %dma_wait3A_126 : memref<1x8x128xi32, #tpu.memory_space<vmem>> -> memref<8x128xi32, #tpu.memory_space<vmem>>
      %dma_wait3A_128 = arith.constant 0 : i32
      %dma_wait3A_129 = tpu.memref_slice %arg2[%run_scoped3A_35, %mul3A_2, %dma_wait3A_128] : memref<2x2560x128xi32, #tpu.memory_space<hbm>> -> memref<1x8x128xi32, #tpu.memory_space<hbm>>
      %dma_wait3A_130 = tpu.memref_squeeze %dma_wait3A_129 : memref<1x8x128xi32, #tpu.memory_space<hbm>> -> memref<8x128xi32, #tpu.memory_space<hbm>>
      %dma_wait3A_131 = arith.constant 0 : i32
      %dma_wait3A_132 = arith.constant 0 : i32
      %dma_wait3A_133 = tpu.memref_slice %arg6[%run_scoped3A_36, %dma_wait3A_131, %dma_wait3A_132] : memref<2x8x128xi32, #tpu.memory_space<vmem>> -> memref<1x8x128xi32, #tpu.memory_space<vmem>>
      %dma_wait3A_134 = tpu.memref_squeeze %dma_wait3A_133 : memref<1x8x128xi32, #tpu.memory_space<vmem>> -> memref<8x128xi32, #tpu.memory_space<vmem>>
      %dma_wait3A_135 = arith.constant 0 : i32
      %dma_wait3A_136 = tpu.memref_slice %arg2[%run_scoped3A_35, %mul3A_2, %dma_wait3A_135] : memref<2x2560x128xi32, #tpu.memory_space<hbm>> -> memref<1x8x128xi32, #tpu.memory_space<hbm>>
      %dma_wait3A_137 = tpu.memref_squeeze %dma_wait3A_136 : memref<1x8x128xi32, #tpu.memory_space<hbm>> -> memref<8x128xi32, #tpu.memory_space<hbm>>
      tpu.wait_dma2 semaphore(%run_scoped3A_110 : memref<!tpu.dma_semaphore, #tpu.memory_space<semaphore_mem>>) src(%dma_wait3A_137 : memref<8x128xi32, #tpu.memory_space<hbm>>) dst(%dma_wait3A_134 : memref<8x128xi32, #tpu.memory_space<vmem>>)
      tpu.yield
    }) : () -> ()
    %add3A_37 = arith.constant 8 : i32
    %add3A_38 = arith.addi %mul3A_2, %add3A_37 : i32
    %dma_start3A = arith.constant 1 : i32
    %dma_start3A_39 = arith.constant 1 : i32
    %dma_start3A_40 = arith.constant 0 : i32
    %dma_start3A_41 = arith.constant 0 : i32
    %dma_start3A_42 = tpu.memref_slice %arg5[%dma_start3A_39, %dma_start3A_40, %dma_start3A_41] : memref<2x8x128xi32, #tpu.memory_space<vmem>> -> memref<1x8x128xi32, #tpu.memory_space<vmem>>
    %dma_start3A_43 = tpu.memref_squeeze %dma_start3A_42 : memref<1x8x128xi32, #tpu.memory_space<vmem>> -> memref<8x128xi32, #tpu.memory_space<vmem>>
    %dma_start3A_44 = arith.constant 0 : i32
    %dma_start3A_45 = tpu.memref_slice %arg2[%dma_start3A, %add3A_38, %dma_start3A_44] : memref<2x2560x128xi32, #tpu.memory_space<hbm>> -> memref<1x8x128xi32, #tpu.memory_space<hbm>>
    %dma_start3A_46 = tpu.memref_squeeze %dma_start3A_45 : memref<1x8x128xi32, #tpu.memory_space<hbm>> -> memref<8x128xi32, #tpu.memory_space<hbm>>
    %dma_start3A_47 = arith.constant 0 : i32
    %dma_start3A_48 = arith.constant 0 : i32
    %dma_start3A_49 = tpu.memref_slice %arg5[%dma_start3A_39, %dma_start3A_47, %dma_start3A_48] : memref<2x8x128xi32, #tpu.memory_space<vmem>> -> memref<1x8x128xi32, #tpu.memory_space<vmem>>
    %dma_start3A_50 = tpu.memref_squeeze %dma_start3A_49 : memref<1x8x128xi32, #tpu.memory_space<vmem>> -> memref<8x128xi32, #tpu.memory_space<vmem>>
    %dma_start3A_51 = arith.constant 0 : i32
    %dma_start3A_52 = tpu.memref_slice %arg2[%dma_start3A, %add3A_38, %dma_start3A_51] : memref<2x2560x128xi32, #tpu.memory_space<hbm>> -> memref<1x8x128xi32, #tpu.memory_space<hbm>>
    %dma_start3A_53 = tpu.memref_squeeze %dma_start3A_52 : memref<1x8x128xi32, #tpu.memory_space<hbm>> -> memref<8x128xi32, #tpu.memory_space<hbm>>
    tpu.enqueue_dma source(%dma_start3A_53 : memref<8x128xi32, #tpu.memory_space<hbm>>) target(%dma_start3A_50 : memref<8x128xi32, #tpu.memory_space<vmem>>) target_semaphore(%arg8 : memref<!tpu.dma_semaphore, #tpu.memory_space<semaphore_mem>>)
    %add3A_54 = arith.constant 8 : i32
    %add3A_55 = arith.addi %mul3A_2, %add3A_54 : i32
    %dma_start3A_56 = arith.constant 0 : i32
    %dma_start3A_57 = arith.constant 1 : i32
    %dma_start3A_58 = arith.constant 0 : i32
    %dma_start3A_59 = arith.constant 0 : i32
    %dma_start3A_60 = tpu.memref_slice %arg6[%dma_start3A_57, %dma_start3A_58, %dma_start3A_59] : memref<2x8x128xi32, #tpu.memory_space<vmem>> -> memref<1x8x128xi32, #tpu.memory_space<vmem>>
    %dma_start3A_61 = tpu.memref_squeeze %dma_start3A_60 : memref<1x8x128xi32, #tpu.memory_space<vmem>> -> memref<8x128xi32, #tpu.memory_space<vmem>>
    %dma_start3A_62 = arith.constant 0 : i32
    %dma_start3A_63 = tpu.memref_slice %arg2[%dma_start3A_56, %add3A_55, %dma_start3A_62] : memref<2x2560x128xi32, #tpu.memory_space<hbm>> -> memref<1x8x128xi32, #tpu.memory_space<hbm>>
    %dma_start3A_64 = tpu.memref_squeeze %dma_start3A_63 : memref<1x8x128xi32, #tpu.memory_space<hbm>> -> memref<8x128xi32, #tpu.memory_space<hbm>>
    %dma_start3A_65 = arith.constant 0 : i32
    %dma_start3A_66 = arith.constant 0 : i32
    %dma_start3A_67 = tpu.memref_slice %arg6[%dma_start3A_57, %dma_start3A_65, %dma_start3A_66] : memref<2x8x128xi32, #tpu.memory_space<vmem>> -> memref<1x8x128xi32, #tpu.memory_space<vmem>>
    %dma_start3A_68 = tpu.memref_squeeze %dma_start3A_67 : memref<1x8x128xi32, #tpu.memory_space<vmem>> -> memref<8x128xi32, #tpu.memory_space<vmem>>
    %dma_start3A_69 = arith.constant 0 : i32
    %dma_start3A_70 = tpu.memref_slice %arg2[%dma_start3A_56, %add3A_55, %dma_start3A_69] : memref<2x2560x128xi32, #tpu.memory_space<hbm>> -> memref<1x8x128xi32, #tpu.memory_space<hbm>>
    %dma_start3A_71 = tpu.memref_squeeze %dma_start3A_70 : memref<1x8x128xi32, #tpu.memory_space<hbm>> -> memref<8x128xi32, #tpu.memory_space<hbm>>
    tpu.enqueue_dma source(%dma_start3A_71 : memref<8x128xi32, #tpu.memory_space<hbm>>) target(%dma_start3A_68 : memref<8x128xi32, #tpu.memory_space<vmem>>) target_semaphore(%arg8 : memref<!tpu.dma_semaphore, #tpu.memory_space<semaphore_mem>>)
    %dma_start3A_72 = arith.constant 0 : i32
    %dma_start3A_73 = arith.constant 0 : i32
    %dma_start3A_74 = arith.constant 0 : i32
    %dma_start3A_75 = arith.constant 0 : i32
    %dma_start3A_76 = arith.constant 0 : i32
    %dma_start3A_77 = tpu.memref_slice %arg7[%dma_start3A_74, %dma_start3A_75, %dma_start3A_76] : memref<2x128x128xf32, #tpu.memory_space<vmem>> -> memref<1x128x128xf32, #tpu.memory_space<vmem>>
    %dma_start3A_78 = tpu.memref_squeeze %dma_start3A_77 : memref<1x128x128xf32, #tpu.memory_space<vmem>> -> memref<128x128xf32, #tpu.memory_space<vmem>>
    %dma_start3A_79 = arith.constant 0 : i32
    %dma_start3A_80 = tpu.memref_slice %arg5[%dma_start3A_72, %dma_start3A_73, %dma_start3A_79] : memref<2x8x128xi32, #tpu.memory_space<vmem>> -> memref<1x1x128xi32, #tpu.memory_space<vmem>>
    %dma_start3A_81 = tpu.memref_squeeze %dma_start3A_80 : memref<1x1x128xi32, #tpu.memory_space<vmem>> -> memref<128xi32, #tpu.memory_space<vmem>>
    %dma_start3A_82 = arith.constant 0 : i32
    %dma_start3A_83 = arith.constant 0 : i32
    %dma_start3A_84 = tpu.memref_slice %arg3[%dma_start3A_82, %dma_start3A_83] : memref<10240x128xf32, #tpu.memory_space<hbm>> -> memref<10240x128xf32, #tpu.memory_space<hbm>>
    tpu.enqueue_indirect_dma source(%dma_start3A_84 : memref<10240x128xf32, #tpu.memory_space<hbm>>) target(%dma_start3A_78 : memref<128x128xf32, #tpu.memory_space<vmem>>) offsets(%dma_start3A_81 : memref<128xi32, #tpu.memory_space<vmem>>) semaphore(%arg9 : memref<!tpu.dma_semaphore, #tpu.memory_space<semaphore_mem>>)
    %dma_start3A_85 = arith.constant 0 : i32
    %dma_start3A_86 = arith.constant 1 : i32
    %dma_start3A_87 = arith.constant 1 : i32
    %dma_start3A_88 = arith.constant 0 : i32
    %dma_start3A_89 = arith.constant 0 : i32
    %dma_start3A_90 = tpu.memref_slice %arg7[%dma_start3A_87, %dma_start3A_88, %dma_start3A_89] : memref<2x128x128xf32, #tpu.memory_space<vmem>> -> memref<1x128x128xf32, #tpu.memory_space<vmem>>
    %dma_start3A_91 = tpu.memref_squeeze %dma_start3A_90 : memref<1x128x128xf32, #tpu.memory_space<vmem>> -> memref<128x128xf32, #tpu.memory_space<vmem>>
    %dma_start3A_92 = arith.constant 0 : i32
    %dma_start3A_93 = tpu.memref_slice %arg5[%dma_start3A_85, %dma_start3A_86, %dma_start3A_92] : memref<2x8x128xi32, #tpu.memory_space<vmem>> -> memref<1x1x128xi32, #tpu.memory_space<vmem>>
    %dma_start3A_94 = tpu.memref_squeeze %dma_start3A_93 : memref<1x1x128xi32, #tpu.memory_space<vmem>> -> memref<128xi32, #tpu.memory_space<vmem>>
    %dma_start3A_95 = arith.constant 0 : i32
    %dma_start3A_96 = arith.constant 0 : i32
    %dma_start3A_97 = tpu.memref_slice %arg3[%dma_start3A_95, %dma_start3A_96] : memref<10240x128xf32, #tpu.memory_space<hbm>> -> memref<10240x128xf32, #tpu.memory_space<hbm>>
    tpu.enqueue_indirect_dma source(%dma_start3A_97 : memref<10240x128xf32, #tpu.memory_space<hbm>>) target(%dma_start3A_91 : memref<128x128xf32, #tpu.memory_space<vmem>>) offsets(%dma_start3A_94 : memref<128xi32, #tpu.memory_space<vmem>>) semaphore(%arg10 : memref<!tpu.dma_semaphore, #tpu.memory_space<semaphore_mem>>)
    %scan3A_98 = arith.constant 0 : i32
    %scan3A_99 = arith.constant 0 : i32
    %scan3A_100 = arith.constant 10 : i32
    %scan3A_101 = arith.addi %scan3A_99, %scan3A_100 : i32
    %scan3A_102 = arith.constant 1 : i32
    %scan3A_103 = scf.for %scan3A_110 = %scan3A_99 to %scan3A_101 step %scan3A_102 iter_args(%scan3A_111 = %scan3A_98) -> (i32)  : i32 {
      %rem3A = arith.constant 2 : i32
      %rem3A_112 = arith.remsi %scan3A_110, %rem3A : i32
      %add3A_113 = arith.constant 1 : i32
      %add3A_114 = arith.addi %scan3A_110, %add3A_113 : i32
      %lt3A = arith.constant 10 : i32
      %lt3A_115 = arith.cmpi slt, %add3A_114, %lt3A : i32
      %convert_element_type3A = arith.extui %lt3A_115 : i1 to i32
      %cond3A = arith.constant 0 : i32
      %cond3A_116 = arith.cmpi ne, %convert_element_type3A, %cond3A : i32
      scf.if %cond3A_116 {
        %dma_wait3A_346 = arith.constant 1 : i32
        %dma_wait3A_347 = arith.constant 0 : i32
        %dma_wait3A_348 = arith.constant 0 : i32
        %dma_wait3A_349 = arith.constant 0 : i32
        %dma_wait3A_350 = tpu.memref_slice %arg5[%dma_wait3A_347, %dma_wait3A_348, %dma_wait3A_349] : memref<2x8x128xi32, #tpu.memory_space<vmem>> -> memref<1x8x128xi32, #tpu.memory_space<vmem>>
        %dma_wait3A_351 = tpu.memref_squeeze %dma_wait3A_350 : memref<1x8x128xi32, #tpu.memory_space<vmem>> -> memref<8x128xi32, #tpu.memory_space<vmem>>
        %dma_wait3A_352 = arith.constant 0 : i32
        %dma_wait3A_353 = arith.constant 0 : i32
        %dma_wait3A_354 = tpu.memref_slice %arg2[%dma_wait3A_346, %dma_wait3A_352, %dma_wait3A_353] : memref<2x2560x128xi32, #tpu.memory_space<hbm>> -> memref<1x8x128xi32, #tpu.memory_space<hbm>>
        %dma_wait3A_355 = tpu.memref_squeeze %dma_wait3A_354 : memref<1x8x128xi32, #tpu.memory_space<hbm>> -> memref<8x128xi32, #tpu.memory_space<hbm>>
        %dma_wait3A_356 = arith.constant 0 : i32
        %dma_wait3A_357 = arith.constant 0 : i32
        %dma_wait3A_358 = tpu.memref_slice %arg5[%dma_wait3A_347, %dma_wait3A_356, %dma_wait3A_357] : memref<2x8x128xi32, #tpu.memory_space<vmem>> -> memref<1x8x128xi32, #tpu.memory_space<vmem>>
        %dma_wait3A_359 = tpu.memref_squeeze %dma_wait3A_358 : memref<1x8x128xi32, #tpu.memory_space<vmem>> -> memref<8x128xi32, #tpu.memory_space<vmem>>
        %dma_wait3A_360 = arith.constant 0 : i32
        %dma_wait3A_361 = arith.constant 0 : i32
        %dma_wait3A_362 = tpu.memref_slice %arg2[%dma_wait3A_346, %dma_wait3A_360, %dma_wait3A_361] : memref<2x2560x128xi32, #tpu.memory_space<hbm>> -> memref<1x8x128xi32, #tpu.memory_space<hbm>>
        %dma_wait3A_363 = tpu.memref_squeeze %dma_wait3A_362 : memref<1x8x128xi32, #tpu.memory_space<hbm>> -> memref<8x128xi32, #tpu.memory_space<hbm>>
        tpu.wait_dma2 semaphore(%arg8 : memref<!tpu.dma_semaphore, #tpu.memory_space<semaphore_mem>>) src(%dma_wait3A_363 : memref<8x128xi32, #tpu.memory_space<hbm>>) dst(%dma_wait3A_359 : memref<8x128xi32, #tpu.memory_space<vmem>>)
        %dma_wait3A_364 = arith.constant 0 : i32
        %dma_wait3A_365 = arith.constant 0 : i32
        %dma_wait3A_366 = arith.constant 0 : i32
        %dma_wait3A_367 = arith.constant 0 : i32
        %dma_wait3A_368 = tpu.memref_slice %arg6[%dma_wait3A_365, %dma_wait3A_366, %dma_wait3A_367] : memref<2x8x128xi32, #tpu.memory_space<vmem>> -> memref<1x8x128xi32, #tpu.memory_space<vmem>>
        %dma_wait3A_369 = tpu.memref_squeeze %dma_wait3A_368 : memref<1x8x128xi32, #tpu.memory_space<vmem>> -> memref<8x128xi32, #tpu.memory_space<vmem>>
        %dma_wait3A_370 = arith.constant 0 : i32
        %dma_wait3A_371 = arith.constant 0 : i32
        %dma_wait3A_372 = tpu.memref_slice %arg2[%dma_wait3A_364, %dma_wait3A_370, %dma_wait3A_371] : memref<2x2560x128xi32, #tpu.memory_space<hbm>> -> memref<1x8x128xi32, #tpu.memory_space<hbm>>
        %dma_wait3A_373 = tpu.memref_squeeze %dma_wait3A_372 : memref<1x8x128xi32, #tpu.memory_space<hbm>> -> memref<8x128xi32, #tpu.memory_space<hbm>>
        %dma_wait3A_374 = arith.constant 0 : i32
        %dma_wait3A_375 = arith.constant 0 : i32
        %dma_wait3A_376 = tpu.memref_slice %arg6[%dma_wait3A_365, %dma_wait3A_374, %dma_wait3A_375] : memref<2x8x128xi32, #tpu.memory_space<vmem>> -> memref<1x8x128xi32, #tpu.memory_space<vmem>>
        %dma_wait3A_377 = tpu.memref_squeeze %dma_wait3A_376 : memref<1x8x128xi32, #tpu.memory_space<vmem>> -> memref<8x128xi32, #tpu.memory_space<vmem>>
        %dma_wait3A_378 = arith.constant 0 : i32
        %dma_wait3A_379 = arith.constant 0 : i32
        %dma_wait3A_380 = tpu.memref_slice %arg2[%dma_wait3A_364, %dma_wait3A_378, %dma_wait3A_379] : memref<2x2560x128xi32, #tpu.memory_space<hbm>> -> memref<1x8x128xi32, #tpu.memory_space<hbm>>
        %dma_wait3A_381 = tpu.memref_squeeze %dma_wait3A_380 : memref<1x8x128xi32, #tpu.memory_space<hbm>> -> memref<8x128xi32, #tpu.memory_space<hbm>>
        tpu.wait_dma2 semaphore(%arg8 : memref<!tpu.dma_semaphore, #tpu.memory_space<semaphore_mem>>) src(%dma_wait3A_381 : memref<8x128xi32, #tpu.memory_space<hbm>>) dst(%dma_wait3A_377 : memref<8x128xi32, #tpu.memory_space<vmem>>)
      } else {
      }
      %dma_wait3A = arith.constant 0 : i32
      %dma_wait3A_117 = arith.constant 0 : i32
      %dma_wait3A_118 = arith.constant 0 : i32
      %dma_wait3A_119 = tpu.memref_slice %arg7[%dma_wait3A, %dma_wait3A_117, %dma_wait3A_118] : memref<2x128x128xf32, #tpu.memory_space<vmem>> -> memref<1x128x128xf32, #tpu.memory_space<vmem>>
      %dma_wait3A_120 = tpu.memref_squeeze %dma_wait3A_119 : memref<1x128x128xf32, #tpu.memory_space<vmem>> -> memref<128x128xf32, #tpu.memory_space<vmem>>
      %dma_wait3A_121 = arith.constant 0 : i32
      %dma_wait3A_122 = arith.constant 0 : i32
      %dma_wait3A_123 = tpu.memref_slice %arg3[%dma_wait3A_121, %dma_wait3A_122] : memref<10240x128xf32, #tpu.memory_space<hbm>> -> memref<128x128xf32, #tpu.memory_space<hbm>>
      %dma_wait3A_124 = arith.constant 0 : i32
      %dma_wait3A_125 = arith.constant 0 : i32
      %dma_wait3A_126 = tpu.memref_slice %arg7[%dma_wait3A, %dma_wait3A_124, %dma_wait3A_125] : memref<2x128x128xf32, #tpu.memory_space<vmem>> -> memref<1x128x128xf32, #tpu.memory_space<vmem>>
      %dma_wait3A_127 = tpu.memref_squeeze %dma_wait3A_126 : memref<1x128x128xf32, #tpu.memory_space<vmem>> -> memref<128x128xf32, #tpu.memory_space<vmem>>
      %dma_wait3A_128 = arith.constant 0 : i32
      %dma_wait3A_129 = arith.constant 0 : i32
      %dma_wait3A_130 = tpu.memref_slice %arg3[%dma_wait3A_128, %dma_wait3A_129] : memref<10240x128xf32, #tpu.memory_space<hbm>> -> memref<128x128xf32, #tpu.memory_space<hbm>>
      tpu.wait_dma2 semaphore(%arg9 : memref<!tpu.dma_semaphore, #tpu.memory_space<semaphore_mem>>) src(%dma_wait3A_130 : memref<128x128xf32, #tpu.memory_space<hbm>>) dst(%dma_wait3A_127 : memref<128x128xf32, #tpu.memory_space<vmem>>)
      %run_scoped3A_131 = arith.constant 0 : i32
      %run_scoped3A_132 = arith.constant 0 : i32
      "tpu.region"() ({
        %run_scoped3A_346 = tpu.sem_alloc : memref<!tpu.dma_semaphore, #tpu.memory_space<semaphore_mem>>
        %dma_start3A_347 = arith.constant 0 : i32
        %dma_start3A_348 = arith.constant 0 : i32
        %dma_start3A_349 = tpu.memref_slice %arg7[%run_scoped3A_131, %dma_start3A_347, %dma_start3A_348] : memref<2x128x128xf32, #tpu.memory_space<vmem>> -> memref<1x128x128xf32, #tpu.memory_space<vmem>>
        %dma_start3A_350 = tpu.memref_squeeze %dma_start3A_349 : memref<1x128x128xf32, #tpu.memory_space<vmem>> -> memref<128x128xf32, #tpu.memory_space<vmem>>
        %dma_start3A_351 = arith.constant 0 : i32
        %dma_start3A_352 = tpu.memref_slice %arg6[%rem3A_112, %run_scoped3A_132, %dma_start3A_351] : memref<2x8x128xi32, #tpu.memory_space<vmem>> -> memref<1x1x128xi32, #tpu.memory_space<vmem>>
        %dma_start3A_353 = tpu.memref_squeeze %dma_start3A_352 : memref<1x1x128xi32, #tpu.memory_space<vmem>> -> memref<128xi32, #tpu.memory_space<vmem>>
        %dma_start3A_354 = arith.constant 0 : i32
        %dma_start3A_355 = arith.constant 0 : i32
        %dma_start3A_356 = tpu.memref_slice %arg11[%dma_start3A_354, %dma_start3A_355] : memref<10240x128xf32, #tpu.memory_space<vmem_shared>> -> memref<10240x128xf32, #tpu.memory_space<vmem_shared>>
        tpu.enqueue_indirect_dma source(%dma_start3A_350 : memref<128x128xf32, #tpu.memory_space<vmem>>) target(%dma_start3A_356 : memref<10240x128xf32, #tpu.memory_space<vmem_shared>>) offsets(%dma_start3A_353 : memref<128xi32, #tpu.memory_space<vmem>>) semaphore(%run_scoped3A_346 : memref<!tpu.dma_semaphore, #tpu.memory_space<semaphore_mem>>) {add = true}
        %dma_wait3A_357 = arith.constant 0 : i32
        %dma_wait3A_358 = arith.constant 0 : i32
        %dma_wait3A_359 = tpu.memref_slice %arg7[%run_scoped3A_131, %dma_wait3A_357, %dma_wait3A_358] : memref<2x128x128xf32, #tpu.memory_space<vmem>> -> memref<1x128x128xf32, #tpu.memory_space<vmem>>
        %dma_wait3A_360 = tpu.memref_squeeze %dma_wait3A_359 : memref<1x128x128xf32, #tpu.memory_space<vmem>> -> memref<128x128xf32, #tpu.memory_space<vmem>>
        %dma_wait3A_361 = arith.constant 0 : i32
        %dma_wait3A_362 = tpu.memref_slice %arg6[%rem3A_112, %run_scoped3A_132, %dma_wait3A_361] : memref<2x8x128xi32, #tpu.memory_space<vmem>> -> memref<1x1x128xi32, #tpu.memory_space<vmem>>
        %dma_wait3A_363 = tpu.memref_squeeze %dma_wait3A_362 : memref<1x1x128xi32, #tpu.memory_space<vmem>> -> memref<128xi32, #tpu.memory_space<vmem>>
        %dma_wait3A_364 = arith.constant 0 : i32
        %dma_wait3A_365 = arith.constant 0 : i32
        %dma_wait3A_366 = tpu.memref_slice %arg11[%dma_wait3A_364, %dma_wait3A_365] : memref<10240x128xf32, #tpu.memory_space<vmem_shared>> -> memref<10240x128xf32, #tpu.memory_space<vmem_shared>>
        tpu.wait_indirect_dma semaphore(%run_scoped3A_346 : memref<!tpu.dma_semaphore, #tpu.memory_space<semaphore_mem>>) src(%dma_wait3A_360 : memref<128x128xf32, #tpu.memory_space<vmem>>) dst(%dma_wait3A_366 : memref<10240x128xf32, #tpu.memory_space<vmem_shared>>)
        tpu.yield
      }) : () -> ()
      %dma_start3A_133 = arith.constant 2 : i32
      %dma_start3A_134 = arith.constant 0 : i32
      %dma_start3A_135 = arith.constant 0 : i32
      %dma_start3A_136 = arith.constant 0 : i32
      %dma_start3A_137 = tpu.memref_slice %arg7[%dma_start3A_134, %dma_start3A_135, %dma_start3A_136] : memref<2x128x128xf32, #tpu.memory_space<vmem>> -> memref<1x128x128xf32, #tpu.memory_space<vmem>>
      %dma_start3A_138 = tpu.memref_squeeze %dma_start3A_137 : memref<1x128x128xf32, #tpu.memory_space<vmem>> -> memref<128x128xf32, #tpu.memory_space<vmem>>
      %dma_start3A_139 = arith.constant 0 : i32
      %dma_start3A_140 = tpu.memref_slice %arg5[%rem3A_112, %dma_start3A_133, %dma_start3A_139] : memref<2x8x128xi32, #tpu.memory_space<vmem>> -> memref<1x1x128xi32, #tpu.memory_space<vmem>>
      %dma_start3A_141 = tpu.memref_squeeze %dma_start3A_140 : memref<1x1x128xi32, #tpu.memory_space<vmem>> -> memref<128xi32, #tpu.memory_space<vmem>>
      %dma_start3A_142 = arith.constant 0 : i32
      %dma_start3A_143 = arith.constant 0 : i32
      %dma_start3A_144 = tpu.memref_slice %arg3[%dma_start3A_142, %dma_start3A_143] : memref<10240x128xf32, #tpu.memory_space<hbm>> -> memref<10240x128xf32, #tpu.memory_space<hbm>>
      tpu.enqueue_indirect_dma source(%dma_start3A_144 : memref<10240x128xf32, #tpu.memory_space<hbm>>) target(%dma_start3A_138 : memref<128x128xf32, #tpu.memory_space<vmem>>) offsets(%dma_start3A_141 : memref<128xi32, #tpu.memory_space<vmem>>) semaphore(%arg9 : memref<!tpu.dma_semaphore, #tpu.memory_space<semaphore_mem>>)
      %dma_wait3A_145 = arith.constant 1 : i32
      %dma_wait3A_146 = arith.constant 0 : i32
      %dma_wait3A_147 = arith.constant 0 : i32
      %dma_wait3A_148 = tpu.memref_slice %arg7[%dma_wait3A_145, %dma_wait3A_146, %dma_wait3A_147] : memref<2x128x128xf32, #tpu.memory_space<vmem>> -> memref<1x128x128xf32, #tpu.memory_space<vmem>>
      %dma_wait3A_149 = tpu.memref_squeeze %dma_wait3A_148 : memref<1x128x128xf32, #tpu.memory_space<vmem>> -> memref<128x128xf32, #tpu.memory_space<vmem>>
      %dma_wait3A_150 = arith.constant 0 : i32
      %dma_wait3A_151 = arith.constant 0 : i32
      %dma_wait3A_152 = tpu.memref_slice %arg3[%dma_wait3A_150, %dma_wait3A_151] : memref<10240x128xf32, #tpu.memory_space<hbm>> -> memref<128x128xf32, #tpu.memory_space<hbm>>
      %dma_wait3A_153 = arith.constant 0 : i32
      %dma_wait3A_154 = arith.constant 0 : i32
      %dma_wait3A_155 = tpu.memref_slice %arg7[%dma_wait3A_145, %dma_wait3A_153, %dma_wait3A_154] : memref<2x128x128xf32, #tpu.memory_space<vmem>> -> memref<1x128x128xf32, #tpu.memory_space<vmem>>
      %dma_wait3A_156 = tpu.memref_squeeze %dma_wait3A_155 : memref<1x128x128xf32, #tpu.memory_space<vmem>> -> memref<128x128xf32, #tpu.memory_space<vmem>>
      %dma_wait3A_157 = arith.constant 0 : i32
      %dma_wait3A_158 = arith.constant 0 : i32
      %dma_wait3A_159 = tpu.memref_slice %arg3[%dma_wait3A_157, %dma_wait3A_158] : memref<10240x128xf32, #tpu.memory_space<hbm>> -> memref<128x128xf32, #tpu.memory_space<hbm>>
      tpu.wait_dma2 semaphore(%arg10 : memref<!tpu.dma_semaphore, #tpu.memory_space<semaphore_mem>>) src(%dma_wait3A_159 : memref<128x128xf32, #tpu.memory_space<hbm>>) dst(%dma_wait3A_156 : memref<128x128xf32, #tpu.memory_space<vmem>>)
      %run_scoped3A_160 = arith.constant 1 : i32
      %run_scoped3A_161 = arith.constant 1 : i32
      "tpu.region"() ({
        %run_scoped3A_346 = tpu.sem_alloc : memref<!tpu.dma_semaphore, #tpu.memory_space<semaphore_mem>>
        %dma_start3A_347 = arith.constant 0 : i32
        %dma_start3A_348 = arith.constant 0 : i32
        %dma_start3A_349 = tpu.memref_slice %arg7[%run_scoped3A_160, %dma_start3A_347, %dma_start3A_348] : memref<2x128x128xf32, #tpu.memory_space<vmem>> -> memref<1x128x128xf32, #tpu.memory_space<vmem>>
        %dma_start3A_350 = tpu.memref_squeeze %dma_start3A_349 : memref<1x128x128xf32, #tpu.memory_space<vmem>> -> memref<128x128xf32, #tpu.memory_space<vmem>>
        %dma_start3A_351 = arith.constant 0 : i32
        %dma_start3A_352 = tpu.memref_slice %arg6[%rem3A_112, %run_scoped3A_161, %dma_start3A_351] : memref<2x8x128xi32, #tpu.memory_space<vmem>> -> memref<1x1x128xi32, #tpu.memory_space<vmem>>
        %dma_start3A_353 = tpu.memref_squeeze %dma_start3A_352 : memref<1x1x128xi32, #tpu.memory_space<vmem>> -> memref<128xi32, #tpu.memory_space<vmem>>
        %dma_start3A_354 = arith.constant 0 : i32
        %dma_start3A_355 = arith.constant 0 : i32
        %dma_start3A_356 = tpu.memref_slice %arg11[%dma_start3A_354, %dma_start3A_355] : memref<10240x128xf32, #tpu.memory_space<vmem_shared>> -> memref<10240x128xf32, #tpu.memory_space<vmem_shared>>
        tpu.enqueue_indirect_dma source(%dma_start3A_350 : memref<128x128xf32, #tpu.memory_space<vmem>>) target(%dma_start3A_356 : memref<10240x128xf32, #tpu.memory_space<vmem_shared>>) offsets(%dma_start3A_353 : memref<128xi32, #tpu.memory_space<vmem>>) semaphore(%run_scoped3A_346 : memref<!tpu.dma_semaphore, #tpu.memory_space<semaphore_mem>>) {add = true}
        %dma_wait3A_357 = arith.constant 0 : i32
        %dma_wait3A_358 = arith.constant 0 : i32
        %dma_wait3A_359 = tpu.memref_slice %arg7[%run_scoped3A_160, %dma_wait3A_357, %dma_wait3A_358] : memref<2x128x128xf32, #tpu.memory_space<vmem>> -> memref<1x128x128xf32, #tpu.memory_space<vmem>>
        %dma_wait3A_360 = tpu.memref_squeeze %dma_wait3A_359 : memref<1x128x128xf32, #tpu.memory_space<vmem>> -> memref<128x128xf32, #tpu.memory_space<vmem>>
        %dma_wait3A_361 = arith.constant 0 : i32
        %dma_wait3A_362 = tpu.memref_slice %arg6[%rem3A_112, %run_scoped3A_161, %dma_wait3A_361] : memref<2x8x128xi32, #tpu.memory_space<vmem>> -> memref<1x1x128xi32, #tpu.memory_space<vmem>>
        %dma_wait3A_363 = tpu.memref_squeeze %dma_wait3A_362 : memref<1x1x128xi32, #tpu.memory_space<vmem>> -> memref<128xi32, #tpu.memory_space<vmem>>
        %dma_wait3A_364 = arith.constant 0 : i32
        %dma_wait3A_365 = arith.constant 0 : i32
        %dma_wait3A_366 = tpu.memref_slice %arg11[%dma_wait3A_364, %dma_wait3A_365] : memref<10240x128xf32, #tpu.memory_space<vmem_shared>> -> memref<10240x128xf32, #tpu.memory_space<vmem_shared>>
        tpu.wait_indirect_dma semaphore(%run_scoped3A_346 : memref<!tpu.dma_semaphore, #tpu.memory_space<semaphore_mem>>) src(%dma_wait3A_360 : memref<128x128xf32, #tpu.memory_space<vmem>>) dst(%dma_wait3A_366 : memref<10240x128xf32, #tpu.memory_space<vmem_shared>>)
        tpu.yield
      }) : () -> ()
      %dma_start3A_162 = arith.constant 3 : i32
      %dma_start3A_163 = arith.constant 1 : i32
      %dma_start3A_164 = arith.constant 0 : i32
      %dma_start3A_165 = arith.constant 0 : i32
      %dma_start3A_166 = tpu.memref_slice %arg7[%dma_start3A_163, %dma_start3A_164, %dma_start3A_165] : memref<2x128x128xf32, #tpu.memory_space<vmem>> -> memref<1x128x128xf32, #tpu.memory_space<vmem>>
      %dma_start3A_167 = tpu.memref_squeeze %dma_start3A_166 : memref<1x128x128xf32, #tpu.memory_space<vmem>> -> memref<128x128xf32, #tpu.memory_space<vmem>>
      %dma_start3A_168 = arith.constant 0 : i32
      %dma_start3A_169 = tpu.memref_slice %arg5[%rem3A_112, %dma_start3A_162, %dma_start3A_168] : memref<2x8x128xi32, #tpu.memory_space<vmem>> -> memref<1x1x128xi32, #tpu.memory_space<vmem>>
      %dma_start3A_170 = tpu.memref_squeeze %dma_start3A_169 : memref<1x1x128xi32, #tpu.memory_space<vmem>> -> memref<128xi32, #tpu.memory_space<vmem>>
      %dma_start3A_171 = arith.constant 0 : i32
      %dma_start3A_172 = arith.constant 0 : i32
      %dma_start3A_173 = tpu.memref_slice %arg3[%dma_start3A_171, %dma_start3A_172] : memref<10240x128xf32, #tpu.memory_space<hbm>> -> memref<10240x128xf32, #tpu.memory_space<hbm>>
      tpu.enqueue_indirect_dma source(%dma_start3A_173 : memref<10240x128xf32, #tpu.memory_space<hbm>>) target(%dma_start3A_167 : memref<128x128xf32, #tpu.memory_space<vmem>>) offsets(%dma_start3A_170 : memref<128xi32, #tpu.memory_space<vmem>>) semaphore(%arg10 : memref<!tpu.dma_semaphore, #tpu.memory_space<semaphore_mem>>)
      %dma_wait3A_174 = arith.constant 0 : i32
      %dma_wait3A_175 = arith.constant 0 : i32
      %dma_wait3A_176 = arith.constant 0 : i32
      %dma_wait3A_177 = tpu.memref_slice %arg7[%dma_wait3A_174, %dma_wait3A_175, %dma_wait3A_176] : memref<2x128x128xf32, #tpu.memory_space<vmem>> -> memref<1x128x128xf32, #tpu.memory_space<vmem>>
      %dma_wait3A_178 = tpu.memref_squeeze %dma_wait3A_177 : memref<1x128x128xf32, #tpu.memory_space<vmem>> -> memref<128x128xf32, #tpu.memory_space<vmem>>
      %dma_wait3A_179 = arith.constant 0 : i32
      %dma_wait3A_180 = arith.constant 0 : i32
      %dma_wait3A_181 = tpu.memref_slice %arg3[%dma_wait3A_179, %dma_wait3A_180] : memref<10240x128xf32, #tpu.memory_space<hbm>> -> memref<128x128xf32, #tpu.memory_space<hbm>>
      %dma_wait3A_182 = arith.constant 0 : i32
      %dma_wait3A_183 = arith.constant 0 : i32
      %dma_wait3A_184 = tpu.memref_slice %arg7[%dma_wait3A_174, %dma_wait3A_182, %dma_wait3A_183] : memref<2x128x128xf32, #tpu.memory_space<vmem>> -> memref<1x128x128xf32, #tpu.memory_space<vmem>>
      %dma_wait3A_185 = tpu.memref_squeeze %dma_wait3A_184 : memref<1x128x128xf32, #tpu.memory_space<vmem>> -> memref<128x128xf32, #tpu.memory_space<vmem>>
      %dma_wait3A_186 = arith.constant 0 : i32
      %dma_wait3A_187 = arith.constant 0 : i32
      %dma_wait3A_188 = tpu.memref_slice %arg3[%dma_wait3A_186, %dma_wait3A_187] : memref<10240x128xf32, #tpu.memory_space<hbm>> -> memref<128x128xf32, #tpu.memory_space<hbm>>
      tpu.wait_dma2 semaphore(%arg9 : memref<!tpu.dma_semaphore, #tpu.memory_space<semaphore_mem>>) src(%dma_wait3A_188 : memref<128x128xf32, #tpu.memory_space<hbm>>) dst(%dma_wait3A_185 : memref<128x128xf32, #tpu.memory_space<vmem>>)
      %run_scoped3A_189 = arith.constant 0 : i32
      %run_scoped3A_190 = arith.constant 2 : i32
      "tpu.region"() ({
        %run_scoped3A_346 = tpu.sem_alloc : memref<!tpu.dma_semaphore, #tpu.memory_space<semaphore_mem>>
        %dma_start3A_347 = arith.constant 0 : i32
        %dma_start3A_348 = arith.constant 0 : i32
        %dma_start3A_349 = tpu.memref_slice %arg7[%run_scoped3A_189, %dma_start3A_347, %dma_start3A_348] : memref<2x128x128xf32, #tpu.memory_space<vmem>> -> memref<1x128x128xf32, #tpu.memory_space<vmem>>
        %dma_start3A_350 = tpu.memref_squeeze %dma_start3A_349 : memref<1x128x128xf32, #tpu.memory_space<vmem>> -> memref<128x128xf32, #tpu.memory_space<vmem>>
        %dma_start3A_351 = arith.constant 0 : i32
        %dma_start3A_352 = tpu.memref_slice %arg6[%rem3A_112, %run_scoped3A_190, %dma_start3A_351] : memref<2x8x128xi32, #tpu.memory_space<vmem>> -> memref<1x1x128xi32, #tpu.memory_space<vmem>>
        %dma_start3A_353 = tpu.memref_squeeze %dma_start3A_352 : memref<1x1x128xi32, #tpu.memory_space<vmem>> -> memref<128xi32, #tpu.memory_space<vmem>>
        %dma_start3A_354 = arith.constant 0 : i32
        %dma_start3A_355 = arith.constant 0 : i32
        %dma_start3A_356 = tpu.memref_slice %arg11[%dma_start3A_354, %dma_start3A_355] : memref<10240x128xf32, #tpu.memory_space<vmem_shared>> -> memref<10240x128xf32, #tpu.memory_space<vmem_shared>>
        tpu.enqueue_indirect_dma source(%dma_start3A_350 : memref<128x128xf32, #tpu.memory_space<vmem>>) target(%dma_start3A_356 : memref<10240x128xf32, #tpu.memory_space<vmem_shared>>) offsets(%dma_start3A_353 : memref<128xi32, #tpu.memory_space<vmem>>) semaphore(%run_scoped3A_346 : memref<!tpu.dma_semaphore, #tpu.memory_space<semaphore_mem>>) {add = true}
        %dma_wait3A_357 = arith.constant 0 : i32
        %dma_wait3A_358 = arith.constant 0 : i32
        %dma_wait3A_359 = tpu.memref_slice %arg7[%run_scoped3A_189, %dma_wait3A_357, %dma_wait3A_358] : memref<2x128x128xf32, #tpu.memory_space<vmem>> -> memref<1x128x128xf32, #tpu.memory_space<vmem>>
        %dma_wait3A_360 = tpu.memref_squeeze %dma_wait3A_359 : memref<1x128x128xf32, #tpu.memory_space<vmem>> -> memref<128x128xf32, #tpu.memory_space<vmem>>
        %dma_wait3A_361 = arith.constant 0 : i32
        %dma_wait3A_362 = tpu.memref_slice %arg6[%rem3A_112, %run_scoped3A_190, %dma_wait3A_361] : memref<2x8x128xi32, #tpu.memory_space<vmem>> -> memref<1x1x128xi32, #tpu.memory_space<vmem>>
        %dma_wait3A_363 = tpu.memref_squeeze %dma_wait3A_362 : memref<1x1x128xi32, #tpu.memory_space<vmem>> -> memref<128xi32, #tpu.memory_space<vmem>>
        %dma_wait3A_364 = arith.constant 0 : i32
        %dma_wait3A_365 = arith.constant 0 : i32
        %dma_wait3A_366 = tpu.memref_slice %arg11[%dma_wait3A_364, %dma_wait3A_365] : memref<10240x128xf32, #tpu.memory_space<vmem_shared>> -> memref<10240x128xf32, #tpu.memory_space<vmem_shared>>
        tpu.wait_indirect_dma semaphore(%run_scoped3A_346 : memref<!tpu.dma_semaphore, #tpu.memory_space<semaphore_mem>>) src(%dma_wait3A_360 : memref<128x128xf32, #tpu.memory_space<vmem>>) dst(%dma_wait3A_366 : memref<10240x128xf32, #tpu.memory_space<vmem_shared>>)
        tpu.yield
      }) : () -> ()
      %dma_start3A_191 = arith.constant 4 : i32
      %dma_start3A_192 = arith.constant 0 : i32
      %dma_start3A_193 = arith.constant 0 : i32
      %dma_start3A_194 = arith.constant 0 : i32
      %dma_start3A_195 = tpu.memref_slice %arg7[%dma_start3A_192, %dma_start3A_193, %dma_start3A_194] : memref<2x128x128xf32, #tpu.memory_space<vmem>> -> memref<1x128x128xf32, #tpu.memory_space<vmem>>
      %dma_start3A_196 = tpu.memref_squeeze %dma_start3A_195 : memref<1x128x128xf32, #tpu.memory_space<vmem>> -> memref<128x128xf32, #tpu.memory_space<vmem>>
      %dma_start3A_197 = arith.constant 0 : i32
      %dma_start3A_198 = tpu.memref_slice %arg5[%rem3A_112, %dma_start3A_191, %dma_start3A_197] : memref<2x8x128xi32, #tpu.memory_space<vmem>> -> memref<1x1x128xi32, #tpu.memory_space<vmem>>
      %dma_start3A_199 = tpu.memref_squeeze %dma_start3A_198 : memref<1x1x128xi32, #tpu.memory_space<vmem>> -> memref<128xi32, #tpu.memory_space<vmem>>
      %dma_start3A_200 = arith.constant 0 : i32
      %dma_start3A_201 = arith.constant 0 : i32
      %dma_start3A_202 = tpu.memref_slice %arg3[%dma_start3A_200, %dma_start3A_201] : memref<10240x128xf32, #tpu.memory_space<hbm>> -> memref<10240x128xf32, #tpu.memory_space<hbm>>
      tpu.enqueue_indirect_dma source(%dma_start3A_202 : memref<10240x128xf32, #tpu.memory_space<hbm>>) target(%dma_start3A_196 : memref<128x128xf32, #tpu.memory_space<vmem>>) offsets(%dma_start3A_199 : memref<128xi32, #tpu.memory_space<vmem>>) semaphore(%arg9 : memref<!tpu.dma_semaphore, #tpu.memory_space<semaphore_mem>>)
      %dma_wait3A_203 = arith.constant 1 : i32
      %dma_wait3A_204 = arith.constant 0 : i32
      %dma_wait3A_205 = arith.constant 0 : i32
      %dma_wait3A_206 = tpu.memref_slice %arg7[%dma_wait3A_203, %dma_wait3A_204, %dma_wait3A_205] : memref<2x128x128xf32, #tpu.memory_space<vmem>> -> memref<1x128x128xf32, #tpu.memory_space<vmem>>
      %dma_wait3A_207 = tpu.memref_squeeze %dma_wait3A_206 : memref<1x128x128xf32, #tpu.memory_space<vmem>> -> memref<128x128xf32, #tpu.memory_space<vmem>>
      %dma_wait3A_208 = arith.constant 0 : i32
      %dma_wait3A_209 = arith.constant 0 : i32
      %dma_wait3A_210 = tpu.memref_slice %arg3[%dma_wait3A_208, %dma_wait3A_209] : memref<10240x128xf32, #tpu.memory_space<hbm>> -> memref<128x128xf32, #tpu.memory_space<hbm>>
      %dma_wait3A_211 = arith.constant 0 : i32
      %dma_wait3A_212 = arith.constant 0 : i32
      %dma_wait3A_213 = tpu.memref_slice %arg7[%dma_wait3A_203, %dma_wait3A_211, %dma_wait3A_212] : memref<2x128x128xf32, #tpu.memory_space<vmem>> -> memref<1x128x128xf32, #tpu.memory_space<vmem>>
      %dma_wait3A_214 = tpu.memref_squeeze %dma_wait3A_213 : memref<1x128x128xf32, #tpu.memory_space<vmem>> -> memref<128x128xf32, #tpu.memory_space<vmem>>
      %dma_wait3A_215 = arith.constant 0 : i32
      %dma_wait3A_216 = arith.constant 0 : i32
      %dma_wait3A_217 = tpu.memref_slice %arg3[%dma_wait3A_215, %dma_wait3A_216] : memref<10240x128xf32, #tpu.memory_space<hbm>> -> memref<128x128xf32, #tpu.memory_space<hbm>>
      tpu.wait_dma2 semaphore(%arg10 : memref<!tpu.dma_semaphore, #tpu.memory_space<semaphore_mem>>) src(%dma_wait3A_217 : memref<128x128xf32, #tpu.memory_space<hbm>>) dst(%dma_wait3A_214 : memref<128x128xf32, #tpu.memory_space<vmem>>)
      %run_scoped3A_218 = arith.constant 1 : i32
      %run_scoped3A_219 = arith.constant 3 : i32
      "tpu.region"() ({
        %run_scoped3A_346 = tpu.sem_alloc : memref<!tpu.dma_semaphore, #tpu.memory_space<semaphore_mem>>
        %dma_start3A_347 = arith.constant 0 : i32
        %dma_start3A_348 = arith.constant 0 : i32
        %dma_start3A_349 = tpu.memref_slice %arg7[%run_scoped3A_218, %dma_start3A_347, %dma_start3A_348] : memref<2x128x128xf32, #tpu.memory_space<vmem>> -> memref<1x128x128xf32, #tpu.memory_space<vmem>>
        %dma_start3A_350 = tpu.memref_squeeze %dma_start3A_349 : memref<1x128x128xf32, #tpu.memory_space<vmem>> -> memref<128x128xf32, #tpu.memory_space<vmem>>
        %dma_start3A_351 = arith.constant 0 : i32
        %dma_start3A_352 = tpu.memref_slice %arg6[%rem3A_112, %run_scoped3A_219, %dma_start3A_351] : memref<2x8x128xi32, #tpu.memory_space<vmem>> -> memref<1x1x128xi32, #tpu.memory_space<vmem>>
        %dma_start3A_353 = tpu.memref_squeeze %dma_start3A_352 : memref<1x1x128xi32, #tpu.memory_space<vmem>> -> memref<128xi32, #tpu.memory_space<vmem>>
        %dma_start3A_354 = arith.constant 0 : i32
        %dma_start3A_355 = arith.constant 0 : i32
        %dma_start3A_356 = tpu.memref_slice %arg11[%dma_start3A_354, %dma_start3A_355] : memref<10240x128xf32, #tpu.memory_space<vmem_shared>> -> memref<10240x128xf32, #tpu.memory_space<vmem_shared>>
        tpu.enqueue_indirect_dma source(%dma_start3A_350 : memref<128x128xf32, #tpu.memory_space<vmem>>) target(%dma_start3A_356 : memref<10240x128xf32, #tpu.memory_space<vmem_shared>>) offsets(%dma_start3A_353 : memref<128xi32, #tpu.memory_space<vmem>>) semaphore(%run_scoped3A_346 : memref<!tpu.dma_semaphore, #tpu.memory_space<semaphore_mem>>) {add = true}
        %dma_wait3A_357 = arith.constant 0 : i32
        %dma_wait3A_358 = arith.constant 0 : i32
        %dma_wait3A_359 = tpu.memref_slice %arg7[%run_scoped3A_218, %dma_wait3A_357, %dma_wait3A_358] : memref<2x128x128xf32, #tpu.memory_space<vmem>> -> memref<1x128x128xf32, #tpu.memory_space<vmem>>
        %dma_wait3A_360 = tpu.memref_squeeze %dma_wait3A_359 : memref<1x128x128xf32, #tpu.memory_space<vmem>> -> memref<128x128xf32, #tpu.memory_space<vmem>>
        %dma_wait3A_361 = arith.constant 0 : i32
        %dma_wait3A_362 = tpu.memref_slice %arg6[%rem3A_112, %run_scoped3A_219, %dma_wait3A_361] : memref<2x8x128xi32, #tpu.memory_space<vmem>> -> memref<1x1x128xi32, #tpu.memory_space<vmem>>
        %dma_wait3A_363 = tpu.memref_squeeze %dma_wait3A_362 : memref<1x1x128xi32, #tpu.memory_space<vmem>> -> memref<128xi32, #tpu.memory_space<vmem>>
        %dma_wait3A_364 = arith.constant 0 : i32
        %dma_wait3A_365 = arith.constant 0 : i32
        %dma_wait3A_366 = tpu.memref_slice %arg11[%dma_wait3A_364, %dma_wait3A_365] : memref<10240x128xf32, #tpu.memory_space<vmem_shared>> -> memref<10240x128xf32, #tpu.memory_space<vmem_shared>>
        tpu.wait_indirect_dma semaphore(%run_scoped3A_346 : memref<!tpu.dma_semaphore, #tpu.memory_space<semaphore_mem>>) src(%dma_wait3A_360 : memref<128x128xf32, #tpu.memory_space<vmem>>) dst(%dma_wait3A_366 : memref<10240x128xf32, #tpu.memory_space<vmem_shared>>)
        tpu.yield
      }) : () -> ()
      %dma_start3A_220 = arith.constant 5 : i32
      %dma_start3A_221 = arith.constant 1 : i32
      %dma_start3A_222 = arith.constant 0 : i32
      %dma_start3A_223 = arith.constant 0 : i32
      %dma_start3A_224 = tpu.memref_slice %arg7[%dma_start3A_221, %dma_start3A_222, %dma_start3A_223] : memref<2x128x128xf32, #tpu.memory_space<vmem>> -> memref<1x128x128xf32, #tpu.memory_space<vmem>>
      %dma_start3A_225 = tpu.memref_squeeze %dma_start3A_224 : memref<1x128x128xf32, #tpu.memory_space<vmem>> -> memref<128x128xf32, #tpu.memory_space<vmem>>
      %dma_start3A_226 = arith.constant 0 : i32
      %dma_start3A_227 = tpu.memref_slice %arg5[%rem3A_112, %dma_start3A_220, %dma_start3A_226] : memref<2x8x128xi32, #tpu.memory_space<vmem>> -> memref<1x1x128xi32, #tpu.memory_space<vmem>>
      %dma_start3A_228 = tpu.memref_squeeze %dma_start3A_227 : memref<1x1x128xi32, #tpu.memory_space<vmem>> -> memref<128xi32, #tpu.memory_space<vmem>>
      %dma_start3A_229 = arith.constant 0 : i32
      %dma_start3A_230 = arith.constant 0 : i32
      %dma_start3A_231 = tpu.memref_slice %arg3[%dma_start3A_229, %dma_start3A_230] : memref<10240x128xf32, #tpu.memory_space<hbm>> -> memref<10240x128xf32, #tpu.memory_space<hbm>>
      tpu.enqueue_indirect_dma source(%dma_start3A_231 : memref<10240x128xf32, #tpu.memory_space<hbm>>) target(%dma_start3A_225 : memref<128x128xf32, #tpu.memory_space<vmem>>) offsets(%dma_start3A_228 : memref<128xi32, #tpu.memory_space<vmem>>) semaphore(%arg10 : memref<!tpu.dma_semaphore, #tpu.memory_space<semaphore_mem>>)
      %dma_wait3A_232 = arith.constant 0 : i32
      %dma_wait3A_233 = arith.constant 0 : i32
      %dma_wait3A_234 = arith.constant 0 : i32
      %dma_wait3A_235 = tpu.memref_slice %arg7[%dma_wait3A_232, %dma_wait3A_233, %dma_wait3A_234] : memref<2x128x128xf32, #tpu.memory_space<vmem>> -> memref<1x128x128xf32, #tpu.memory_space<vmem>>
      %dma_wait3A_236 = tpu.memref_squeeze %dma_wait3A_235 : memref<1x128x128xf32, #tpu.memory_space<vmem>> -> memref<128x128xf32, #tpu.memory_space<vmem>>
      %dma_wait3A_237 = arith.constant 0 : i32
      %dma_wait3A_238 = arith.constant 0 : i32
      %dma_wait3A_239 = tpu.memref_slice %arg3[%dma_wait3A_237, %dma_wait3A_238] : memref<10240x128xf32, #tpu.memory_space<hbm>> -> memref<128x128xf32, #tpu.memory_space<hbm>>
      %dma_wait3A_240 = arith.constant 0 : i32
      %dma_wait3A_241 = arith.constant 0 : i32
      %dma_wait3A_242 = tpu.memref_slice %arg7[%dma_wait3A_232, %dma_wait3A_240, %dma_wait3A_241] : memref<2x128x128xf32, #tpu.memory_space<vmem>> -> memref<1x128x128xf32, #tpu.memory_space<vmem>>
      %dma_wait3A_243 = tpu.memref_squeeze %dma_wait3A_242 : memref<1x128x128xf32, #tpu.memory_space<vmem>> -> memref<128x128xf32, #tpu.memory_space<vmem>>
      %dma_wait3A_244 = arith.constant 0 : i32
      %dma_wait3A_245 = arith.constant 0 : i32
      %dma_wait3A_246 = tpu.memref_slice %arg3[%dma_wait3A_244, %dma_wait3A_245] : memref<10240x128xf32, #tpu.memory_space<hbm>> -> memref<128x128xf32, #tpu.memory_space<hbm>>
      tpu.wait_dma2 semaphore(%arg9 : memref<!tpu.dma_semaphore, #tpu.memory_space<semaphore_mem>>) src(%dma_wait3A_246 : memref<128x128xf32, #tpu.memory_space<hbm>>) dst(%dma_wait3A_243 : memref<128x128xf32, #tpu.memory_space<vmem>>)
      %run_scoped3A_247 = arith.constant 0 : i32
      %run_scoped3A_248 = arith.constant 4 : i32
      "tpu.region"() ({
        %run_scoped3A_346 = tpu.sem_alloc : memref<!tpu.dma_semaphore, #tpu.memory_space<semaphore_mem>>
        %dma_start3A_347 = arith.constant 0 : i32
        %dma_start3A_348 = arith.constant 0 : i32
        %dma_start3A_349 = tpu.memref_slice %arg7[%run_scoped3A_247, %dma_start3A_347, %dma_start3A_348] : memref<2x128x128xf32, #tpu.memory_space<vmem>> -> memref<1x128x128xf32, #tpu.memory_space<vmem>>
        %dma_start3A_350 = tpu.memref_squeeze %dma_start3A_349 : memref<1x128x128xf32, #tpu.memory_space<vmem>> -> memref<128x128xf32, #tpu.memory_space<vmem>>
        %dma_start3A_351 = arith.constant 0 : i32
        %dma_start3A_352 = tpu.memref_slice %arg6[%rem3A_112, %run_scoped3A_248, %dma_start3A_351] : memref<2x8x128xi32, #tpu.memory_space<vmem>> -> memref<1x1x128xi32, #tpu.memory_space<vmem>>
        %dma_start3A_353 = tpu.memref_squeeze %dma_start3A_352 : memref<1x1x128xi32, #tpu.memory_space<vmem>> -> memref<128xi32, #tpu.memory_space<vmem>>
        %dma_start3A_354 = arith.constant 0 : i32
        %dma_start3A_355 = arith.constant 0 : i32
        %dma_start3A_356 = tpu.memref_slice %arg11[%dma_start3A_354, %dma_start3A_355] : memref<10240x128xf32, #tpu.memory_space<vmem_shared>> -> memref<10240x128xf32, #tpu.memory_space<vmem_shared>>
        tpu.enqueue_indirect_dma source(%dma_start3A_350 : memref<128x128xf32, #tpu.memory_space<vmem>>) target(%dma_start3A_356 : memref<10240x128xf32, #tpu.memory_space<vmem_shared>>) offsets(%dma_start3A_353 : memref<128xi32, #tpu.memory_space<vmem>>) semaphore(%run_scoped3A_346 : memref<!tpu.dma_semaphore, #tpu.memory_space<semaphore_mem>>) {add = true}
        %dma_wait3A_357 = arith.constant 0 : i32
        %dma_wait3A_358 = arith.constant 0 : i32
        %dma_wait3A_359 = tpu.memref_slice %arg7[%run_scoped3A_247, %dma_wait3A_357, %dma_wait3A_358] : memref<2x128x128xf32, #tpu.memory_space<vmem>> -> memref<1x128x128xf32, #tpu.memory_space<vmem>>
        %dma_wait3A_360 = tpu.memref_squeeze %dma_wait3A_359 : memref<1x128x128xf32, #tpu.memory_space<vmem>> -> memref<128x128xf32, #tpu.memory_space<vmem>>
        %dma_wait3A_361 = arith.constant 0 : i32
        %dma_wait3A_362 = tpu.memref_slice %arg6[%rem3A_112, %run_scoped3A_248, %dma_wait3A_361] : memref<2x8x128xi32, #tpu.memory_space<vmem>> -> memref<1x1x128xi32, #tpu.memory_space<vmem>>
        %dma_wait3A_363 = tpu.memref_squeeze %dma_wait3A_362 : memref<1x1x128xi32, #tpu.memory_space<vmem>> -> memref<128xi32, #tpu.memory_space<vmem>>
        %dma_wait3A_364 = arith.constant 0 : i32
        %dma_wait3A_365 = arith.constant 0 : i32
        %dma_wait3A_366 = tpu.memref_slice %arg11[%dma_wait3A_364, %dma_wait3A_365] : memref<10240x128xf32, #tpu.memory_space<vmem_shared>> -> memref<10240x128xf32, #tpu.memory_space<vmem_shared>>
        tpu.wait_indirect_dma semaphore(%run_scoped3A_346 : memref<!tpu.dma_semaphore, #tpu.memory_space<semaphore_mem>>) src(%dma_wait3A_360 : memref<128x128xf32, #tpu.memory_space<vmem>>) dst(%dma_wait3A_366 : memref<10240x128xf32, #tpu.memory_space<vmem_shared>>)
        tpu.yield
      }) : () -> ()
      %dma_start3A_249 = arith.constant 6 : i32
      %dma_start3A_250 = arith.constant 0 : i32
      %dma_start3A_251 = arith.constant 0 : i32
      %dma_start3A_252 = arith.constant 0 : i32
      %dma_start3A_253 = tpu.memref_slice %arg7[%dma_start3A_250, %dma_start3A_251, %dma_start3A_252] : memref<2x128x128xf32, #tpu.memory_space<vmem>> -> memref<1x128x128xf32, #tpu.memory_space<vmem>>
      %dma_start3A_254 = tpu.memref_squeeze %dma_start3A_253 : memref<1x128x128xf32, #tpu.memory_space<vmem>> -> memref<128x128xf32, #tpu.memory_space<vmem>>
      %dma_start3A_255 = arith.constant 0 : i32
      %dma_start3A_256 = tpu.memref_slice %arg5[%rem3A_112, %dma_start3A_249, %dma_start3A_255] : memref<2x8x128xi32, #tpu.memory_space<vmem>> -> memref<1x1x128xi32, #tpu.memory_space<vmem>>
      %dma_start3A_257 = tpu.memref_squeeze %dma_start3A_256 : memref<1x1x128xi32, #tpu.memory_space<vmem>> -> memref<128xi32, #tpu.memory_space<vmem>>
      %dma_start3A_258 = arith.constant 0 : i32
      %dma_start3A_259 = arith.constant 0 : i32
      %dma_start3A_260 = tpu.memref_slice %arg3[%dma_start3A_258, %dma_start3A_259] : memref<10240x128xf32, #tpu.memory_space<hbm>> -> memref<10240x128xf32, #tpu.memory_space<hbm>>
      tpu.enqueue_indirect_dma source(%dma_start3A_260 : memref<10240x128xf32, #tpu.memory_space<hbm>>) target(%dma_start3A_254 : memref<128x128xf32, #tpu.memory_space<vmem>>) offsets(%dma_start3A_257 : memref<128xi32, #tpu.memory_space<vmem>>) semaphore(%arg9 : memref<!tpu.dma_semaphore, #tpu.memory_space<semaphore_mem>>)
      %dma_wait3A_261 = arith.constant 1 : i32
      %dma_wait3A_262 = arith.constant 0 : i32
      %dma_wait3A_263 = arith.constant 0 : i32
      %dma_wait3A_264 = tpu.memref_slice %arg7[%dma_wait3A_261, %dma_wait3A_262, %dma_wait3A_263] : memref<2x128x128xf32, #tpu.memory_space<vmem>> -> memref<1x128x128xf32, #tpu.memory_space<vmem>>
      %dma_wait3A_265 = tpu.memref_squeeze %dma_wait3A_264 : memref<1x128x128xf32, #tpu.memory_space<vmem>> -> memref<128x128xf32, #tpu.memory_space<vmem>>
      %dma_wait3A_266 = arith.constant 0 : i32
      %dma_wait3A_267 = arith.constant 0 : i32
      %dma_wait3A_268 = tpu.memref_slice %arg3[%dma_wait3A_266, %dma_wait3A_267] : memref<10240x128xf32, #tpu.memory_space<hbm>> -> memref<128x128xf32, #tpu.memory_space<hbm>>
      %dma_wait3A_269 = arith.constant 0 : i32
      %dma_wait3A_270 = arith.constant 0 : i32
      %dma_wait3A_271 = tpu.memref_slice %arg7[%dma_wait3A_261, %dma_wait3A_269, %dma_wait3A_270] : memref<2x128x128xf32, #tpu.memory_space<vmem>> -> memref<1x128x128xf32, #tpu.memory_space<vmem>>
      %dma_wait3A_272 = tpu.memref_squeeze %dma_wait3A_271 : memref<1x128x128xf32, #tpu.memory_space<vmem>> -> memref<128x128xf32, #tpu.memory_space<vmem>>
      %dma_wait3A_273 = arith.constant 0 : i32
      %dma_wait3A_274 = arith.constant 0 : i32
      %dma_wait3A_275 = tpu.memref_slice %arg3[%dma_wait3A_273, %dma_wait3A_274] : memref<10240x128xf32, #tpu.memory_space<hbm>> -> memref<128x128xf32, #tpu.memory_space<hbm>>
      tpu.wait_dma2 semaphore(%arg10 : memref<!tpu.dma_semaphore, #tpu.memory_space<semaphore_mem>>) src(%dma_wait3A_275 : memref<128x128xf32, #tpu.memory_space<hbm>>) dst(%dma_wait3A_272 : memref<128x128xf32, #tpu.memory_space<vmem>>)
      %run_scoped3A_276 = arith.constant 1 : i32
      %run_scoped3A_277 = arith.constant 5 : i32
      "tpu.region"() ({
        %run_scoped3A_346 = tpu.sem_alloc : memref<!tpu.dma_semaphore, #tpu.memory_space<semaphore_mem>>
        %dma_start3A_347 = arith.constant 0 : i32
        %dma_start3A_348 = arith.constant 0 : i32
        %dma_start3A_349 = tpu.memref_slice %arg7[%run_scoped3A_276, %dma_start3A_347, %dma_start3A_348] : memref<2x128x128xf32, #tpu.memory_space<vmem>> -> memref<1x128x128xf32, #tpu.memory_space<vmem>>
        %dma_start3A_350 = tpu.memref_squeeze %dma_start3A_349 : memref<1x128x128xf32, #tpu.memory_space<vmem>> -> memref<128x128xf32, #tpu.memory_space<vmem>>
        %dma_start3A_351 = arith.constant 0 : i32
        %dma_start3A_352 = tpu.memref_slice %arg6[%rem3A_112, %run_scoped3A_277, %dma_start3A_351] : memref<2x8x128xi32, #tpu.memory_space<vmem>> -> memref<1x1x128xi32, #tpu.memory_space<vmem>>
        %dma_start3A_353 = tpu.memref_squeeze %dma_start3A_352 : memref<1x1x128xi32, #tpu.memory_space<vmem>> -> memref<128xi32, #tpu.memory_space<vmem>>
        %dma_start3A_354 = arith.constant 0 : i32
        %dma_start3A_355 = arith.constant 0 : i32
        %dma_start3A_356 = tpu.memref_slice %arg11[%dma_start3A_354, %dma_start3A_355] : memref<10240x128xf32, #tpu.memory_space<vmem_shared>> -> memref<10240x128xf32, #tpu.memory_space<vmem_shared>>
        tpu.enqueue_indirect_dma source(%dma_start3A_350 : memref<128x128xf32, #tpu.memory_space<vmem>>) target(%dma_start3A_356 : memref<10240x128xf32, #tpu.memory_space<vmem_shared>>) offsets(%dma_start3A_353 : memref<128xi32, #tpu.memory_space<vmem>>) semaphore(%run_scoped3A_346 : memref<!tpu.dma_semaphore, #tpu.memory_space<semaphore_mem>>) {add = true}
        %dma_wait3A_357 = arith.constant 0 : i32
        %dma_wait3A_358 = arith.constant 0 : i32
        %dma_wait3A_359 = tpu.memref_slice %arg7[%run_scoped3A_276, %dma_wait3A_357, %dma_wait3A_358] : memref<2x128x128xf32, #tpu.memory_space<vmem>> -> memref<1x128x128xf32, #tpu.memory_space<vmem>>
        %dma_wait3A_360 = tpu.memref_squeeze %dma_wait3A_359 : memref<1x128x128xf32, #tpu.memory_space<vmem>> -> memref<128x128xf32, #tpu.memory_space<vmem>>
        %dma_wait3A_361 = arith.constant 0 : i32
        %dma_wait3A_362 = tpu.memref_slice %arg6[%rem3A_112, %run_scoped3A_277, %dma_wait3A_361] : memref<2x8x128xi32, #tpu.memory_space<vmem>> -> memref<1x1x128xi32, #tpu.memory_space<vmem>>
        %dma_wait3A_363 = tpu.memref_squeeze %dma_wait3A_362 : memref<1x1x128xi32, #tpu.memory_space<vmem>> -> memref<128xi32, #tpu.memory_space<vmem>>
        %dma_wait3A_364 = arith.constant 0 : i32
        %dma_wait3A_365 = arith.constant 0 : i32
        %dma_wait3A_366 = tpu.memref_slice %arg11[%dma_wait3A_364, %dma_wait3A_365] : memref<10240x128xf32, #tpu.memory_space<vmem_shared>> -> memref<10240x128xf32, #tpu.memory_space<vmem_shared>>
        tpu.wait_indirect_dma semaphore(%run_scoped3A_346 : memref<!tpu.dma_semaphore, #tpu.memory_space<semaphore_mem>>) src(%dma_wait3A_360 : memref<128x128xf32, #tpu.memory_space<vmem>>) dst(%dma_wait3A_366 : memref<10240x128xf32, #tpu.memory_space<vmem_shared>>)
        tpu.yield
      }) : () -> ()
      %dma_start3A_278 = arith.constant 7 : i32
      %dma_start3A_279 = arith.constant 1 : i32
      %dma_start3A_280 = arith.constant 0 : i32
      %dma_start3A_281 = arith.constant 0 : i32
      %dma_start3A_282 = tpu.memref_slice %arg7[%dma_start3A_279, %dma_start3A_280, %dma_start3A_281] : memref<2x128x128xf32, #tpu.memory_space<vmem>> -> memref<1x128x128xf32, #tpu.memory_space<vmem>>
      %dma_start3A_283 = tpu.memref_squeeze %dma_start3A_282 : memref<1x128x128xf32, #tpu.memory_space<vmem>> -> memref<128x128xf32, #tpu.memory_space<vmem>>
      %dma_start3A_284 = arith.constant 0 : i32
      %dma_start3A_285 = tpu.memref_slice %arg5[%rem3A_112, %dma_start3A_278, %dma_start3A_284] : memref<2x8x128xi32, #tpu.memory_space<vmem>> -> memref<1x1x128xi32, #tpu.memory_space<vmem>>
      %dma_start3A_286 = tpu.memref_squeeze %dma_start3A_285 : memref<1x1x128xi32, #tpu.memory_space<vmem>> -> memref<128xi32, #tpu.memory_space<vmem>>
      %dma_start3A_287 = arith.constant 0 : i32
      %dma_start3A_288 = arith.constant 0 : i32
      %dma_start3A_289 = tpu.memref_slice %arg3[%dma_start3A_287, %dma_start3A_288] : memref<10240x128xf32, #tpu.memory_space<hbm>> -> memref<10240x128xf32, #tpu.memory_space<hbm>>
      tpu.enqueue_indirect_dma source(%dma_start3A_289 : memref<10240x128xf32, #tpu.memory_space<hbm>>) target(%dma_start3A_283 : memref<128x128xf32, #tpu.memory_space<vmem>>) offsets(%dma_start3A_286 : memref<128xi32, #tpu.memory_space<vmem>>) semaphore(%arg10 : memref<!tpu.dma_semaphore, #tpu.memory_space<semaphore_mem>>)
      %dma_wait3A_290 = arith.constant 0 : i32
      %dma_wait3A_291 = arith.constant 0 : i32
      %dma_wait3A_292 = arith.constant 0 : i32
      %dma_wait3A_293 = tpu.memref_slice %arg7[%dma_wait3A_290, %dma_wait3A_291, %dma_wait3A_292] : memref<2x128x128xf32, #tpu.memory_space<vmem>> -> memref<1x128x128xf32, #tpu.memory_space<vmem>>
      %dma_wait3A_294 = tpu.memref_squeeze %dma_wait3A_293 : memref<1x128x128xf32, #tpu.memory_space<vmem>> -> memref<128x128xf32, #tpu.memory_space<vmem>>
      %dma_wait3A_295 = arith.constant 0 : i32
      %dma_wait3A_296 = arith.constant 0 : i32
      %dma_wait3A_297 = tpu.memref_slice %arg3[%dma_wait3A_295, %dma_wait3A_296] : memref<10240x128xf32, #tpu.memory_space<hbm>> -> memref<128x128xf32, #tpu.memory_space<hbm>>
      %dma_wait3A_298 = arith.constant 0 : i32
      %dma_wait3A_299 = arith.constant 0 : i32
      %dma_wait3A_300 = tpu.memref_slice %arg7[%dma_wait3A_290, %dma_wait3A_298, %dma_wait3A_299] : memref<2x128x128xf32, #tpu.memory_space<vmem>> -> memref<1x128x128xf32, #tpu.memory_space<vmem>>
      %dma_wait3A_301 = tpu.memref_squeeze %dma_wait3A_300 : memref<1x128x128xf32, #tpu.memory_space<vmem>> -> memref<128x128xf32, #tpu.memory_space<vmem>>
      %dma_wait3A_302 = arith.constant 0 : i32
      %dma_wait3A_303 = arith.constant 0 : i32
      %dma_wait3A_304 = tpu.memref_slice %arg3[%dma_wait3A_302, %dma_wait3A_303] : memref<10240x128xf32, #tpu.memory_space<hbm>> -> memref<128x128xf32, #tpu.memory_space<hbm>>
      tpu.wait_dma2 semaphore(%arg9 : memref<!tpu.dma_semaphore, #tpu.memory_space<semaphore_mem>>) src(%dma_wait3A_304 : memref<128x128xf32, #tpu.memory_space<hbm>>) dst(%dma_wait3A_301 : memref<128x128xf32, #tpu.memory_space<vmem>>)
      %run_scoped3A_305 = arith.constant 0 : i32
      %run_scoped3A_306 = arith.constant 6 : i32
      "tpu.region"() ({
        %run_scoped3A_346 = tpu.sem_alloc : memref<!tpu.dma_semaphore, #tpu.memory_space<semaphore_mem>>
        %dma_start3A_347 = arith.constant 0 : i32
        %dma_start3A_348 = arith.constant 0 : i32
        %dma_start3A_349 = tpu.memref_slice %arg7[%run_scoped3A_305, %dma_start3A_347, %dma_start3A_348] : memref<2x128x128xf32, #tpu.memory_space<vmem>> -> memref<1x128x128xf32, #tpu.memory_space<vmem>>
        %dma_start3A_350 = tpu.memref_squeeze %dma_start3A_349 : memref<1x128x128xf32, #tpu.memory_space<vmem>> -> memref<128x128xf32, #tpu.memory_space<vmem>>
        %dma_start3A_351 = arith.constant 0 : i32
        %dma_start3A_352 = tpu.memref_slice %arg6[%rem3A_112, %run_scoped3A_306, %dma_start3A_351] : memref<2x8x128xi32, #tpu.memory_space<vmem>> -> memref<1x1x128xi32, #tpu.memory_space<vmem>>
        %dma_start3A_353 = tpu.memref_squeeze %dma_start3A_352 : memref<1x1x128xi32, #tpu.memory_space<vmem>> -> memref<128xi32, #tpu.memory_space<vmem>>
        %dma_start3A_354 = arith.constant 0 : i32
        %dma_start3A_355 = arith.constant 0 : i32
        %dma_start3A_356 = tpu.memref_slice %arg11[%dma_start3A_354, %dma_start3A_355] : memref<10240x128xf32, #tpu.memory_space<vmem_shared>> -> memref<10240x128xf32, #tpu.memory_space<vmem_shared>>
        tpu.enqueue_indirect_dma source(%dma_start3A_350 : memref<128x128xf32, #tpu.memory_space<vmem>>) target(%dma_start3A_356 : memref<10240x128xf32, #tpu.memory_space<vmem_shared>>) offsets(%dma_start3A_353 : memref<128xi32, #tpu.memory_space<vmem>>) semaphore(%run_scoped3A_346 : memref<!tpu.dma_semaphore, #tpu.memory_space<semaphore_mem>>) {add = true}
        %dma_wait3A_357 = arith.constant 0 : i32
        %dma_wait3A_358 = arith.constant 0 : i32
        %dma_wait3A_359 = tpu.memref_slice %arg7[%run_scoped3A_305, %dma_wait3A_357, %dma_wait3A_358] : memref<2x128x128xf32, #tpu.memory_space<vmem>> -> memref<1x128x128xf32, #tpu.memory_space<vmem>>
        %dma_wait3A_360 = tpu.memref_squeeze %dma_wait3A_359 : memref<1x128x128xf32, #tpu.memory_space<vmem>> -> memref<128x128xf32, #tpu.memory_space<vmem>>
        %dma_wait3A_361 = arith.constant 0 : i32
        %dma_wait3A_362 = tpu.memref_slice %arg6[%rem3A_112, %run_scoped3A_306, %dma_wait3A_361] : memref<2x8x128xi32, #tpu.memory_space<vmem>> -> memref<1x1x128xi32, #tpu.memory_space<vmem>>
        %dma_wait3A_363 = tpu.memref_squeeze %dma_wait3A_362 : memref<1x1x128xi32, #tpu.memory_space<vmem>> -> memref<128xi32, #tpu.memory_space<vmem>>
        %dma_wait3A_364 = arith.constant 0 : i32
        %dma_wait3A_365 = arith.constant 0 : i32
        %dma_wait3A_366 = tpu.memref_slice %arg11[%dma_wait3A_364, %dma_wait3A_365] : memref<10240x128xf32, #tpu.memory_space<vmem_shared>> -> memref<10240x128xf32, #tpu.memory_space<vmem_shared>>
        tpu.wait_indirect_dma semaphore(%run_scoped3A_346 : memref<!tpu.dma_semaphore, #tpu.memory_space<semaphore_mem>>) src(%dma_wait3A_360 : memref<128x128xf32, #tpu.memory_space<vmem>>) dst(%dma_wait3A_366 : memref<10240x128xf32, #tpu.memory_space<vmem_shared>>)
        tpu.yield
      }) : () -> ()
      %add3A_307 = arith.constant 1 : i32
      %add3A_308 = arith.addi %scan3A_110, %add3A_307 : i32
      %lt3A_309 = arith.constant 10 : i32
      %lt3A_310 = arith.cmpi slt, %add3A_308, %lt3A_309 : i32
      %convert_element_type3A_311 = arith.extui %lt3A_310 : i1 to i32
      %cond3A_312 = arith.constant 0 : i32
      %cond3A_313 = arith.cmpi ne, %convert_element_type3A_311, %cond3A_312 : i32
      scf.if %cond3A_313 {
        %sub3A = arith.constant 1 : i32
        %sub3A_346 = arith.subi %sub3A, %rem3A_112 : i32
        %dma_start3A_347 = arith.constant 0 : i32
        %dma_start3A_348 = arith.constant 0 : i32
        %dma_start3A_349 = arith.constant 0 : i32
        %dma_start3A_350 = arith.constant 0 : i32
        %dma_start3A_351 = tpu.memref_slice %arg7[%dma_start3A_348, %dma_start3A_349, %dma_start3A_350] : memref<2x128x128xf32, #tpu.memory_space<vmem>> -> memref<1x128x128xf32, #tpu.memory_space<vmem>>
        %dma_start3A_352 = tpu.memref_squeeze %dma_start3A_351 : memref<1x128x128xf32, #tpu.memory_space<vmem>> -> memref<128x128xf32, #tpu.memory_space<vmem>>
        %dma_start3A_353 = arith.constant 0 : i32
        %dma_start3A_354 = tpu.memref_slice %arg5[%sub3A_346, %dma_start3A_347, %dma_start3A_353] : memref<2x8x128xi32, #tpu.memory_space<vmem>> -> memref<1x1x128xi32, #tpu.memory_space<vmem>>
        %dma_start3A_355 = tpu.memref_squeeze %dma_start3A_354 : memref<1x1x128xi32, #tpu.memory_space<vmem>> -> memref<128xi32, #tpu.memory_space<vmem>>
        %dma_start3A_356 = arith.constant 0 : i32
        %dma_start3A_357 = arith.constant 0 : i32
        %dma_start3A_358 = tpu.memref_slice %arg3[%dma_start3A_356, %dma_start3A_357] : memref<10240x128xf32, #tpu.memory_space<hbm>> -> memref<10240x128xf32, #tpu.memory_space<hbm>>
        tpu.enqueue_indirect_dma source(%dma_start3A_358 : memref<10240x128xf32, #tpu.memory_space<hbm>>) target(%dma_start3A_352 : memref<128x128xf32, #tpu.memory_space<vmem>>) offsets(%dma_start3A_355 : memref<128xi32, #tpu.memory_space<vmem>>) semaphore(%arg9 : memref<!tpu.dma_semaphore, #tpu.memory_space<semaphore_mem>>)
      } else {
      }
      %dma_wait3A_314 = arith.constant 1 : i32
      %dma_wait3A_315 = arith.constant 0 : i32
      %dma_wait3A_316 = arith.constant 0 : i32
      %dma_wait3A_317 = tpu.memref_slice %arg7[%dma_wait3A_314, %dma_wait3A_315, %dma_wait3A_316] : memref<2x128x128xf32, #tpu.memory_space<vmem>> -> memref<1x128x128xf32, #tpu.memory_space<vmem>>
      %dma_wait3A_318 = tpu.memref_squeeze %dma_wait3A_317 : memref<1x128x128xf32, #tpu.memory_space<vmem>> -> memref<128x128xf32, #tpu.memory_space<vmem>>
      %dma_wait3A_319 = arith.constant 0 : i32
      %dma_wait3A_320 = arith.constant 0 : i32
      %dma_wait3A_321 = tpu.memref_slice %arg3[%dma_wait3A_319, %dma_wait3A_320] : memref<10240x128xf32, #tpu.memory_space<hbm>> -> memref<128x128xf32, #tpu.memory_space<hbm>>
      %dma_wait3A_322 = arith.constant 0 : i32
      %dma_wait3A_323 = arith.constant 0 : i32
      %dma_wait3A_324 = tpu.memref_slice %arg7[%dma_wait3A_314, %dma_wait3A_322, %dma_wait3A_323] : memref<2x128x128xf32, #tpu.memory_space<vmem>> -> memref<1x128x128xf32, #tpu.memory_space<vmem>>
      %dma_wait3A_325 = tpu.memref_squeeze %dma_wait3A_324 : memref<1x128x128xf32, #tpu.memory_space<vmem>> -> memref<128x128xf32, #tpu.memory_space<vmem>>
      %dma_wait3A_326 = arith.constant 0 : i32
      %dma_wait3A_327 = arith.constant 0 : i32
      %dma_wait3A_328 = tpu.memref_slice %arg3[%dma_wait3A_326, %dma_wait3A_327] : memref<10240x128xf32, #tpu.memory_space<hbm>> -> memref<128x128xf32, #tpu.memory_space<hbm>>
      tpu.wait_dma2 semaphore(%arg10 : memref<!tpu.dma_semaphore, #tpu.memory_space<semaphore_mem>>) src(%dma_wait3A_328 : memref<128x128xf32, #tpu.memory_space<hbm>>) dst(%dma_wait3A_325 : memref<128x128xf32, #tpu.memory_space<vmem>>)
      %run_scoped3A_329 = arith.constant 1 : i32
      %run_scoped3A_330 = arith.constant 7 : i32
      "tpu.region"() ({
        %run_scoped3A_346 = tpu.sem_alloc : memref<!tpu.dma_semaphore, #tpu.memory_space<semaphore_mem>>
        %dma_start3A_347 = arith.constant 0 : i32
        %dma_start3A_348 = arith.constant 0 : i32
        %dma_start3A_349 = tpu.memref_slice %arg7[%run_scoped3A_329, %dma_start3A_347, %dma_start3A_348] : memref<2x128x128xf32, #tpu.memory_space<vmem>> -> memref<1x128x128xf32, #tpu.memory_space<vmem>>
        %dma_start3A_350 = tpu.memref_squeeze %dma_start3A_349 : memref<1x128x128xf32, #tpu.memory_space<vmem>> -> memref<128x128xf32, #tpu.memory_space<vmem>>
        %dma_start3A_351 = arith.constant 0 : i32
        %dma_start3A_352 = tpu.memref_slice %arg6[%rem3A_112, %run_scoped3A_330, %dma_start3A_351] : memref<2x8x128xi32, #tpu.memory_space<vmem>> -> memref<1x1x128xi32, #tpu.memory_space<vmem>>
        %dma_start3A_353 = tpu.memref_squeeze %dma_start3A_352 : memref<1x1x128xi32, #tpu.memory_space<vmem>> -> memref<128xi32, #tpu.memory_space<vmem>>
        %dma_start3A_354 = arith.constant 0 : i32
        %dma_start3A_355 = arith.constant 0 : i32
        %dma_start3A_356 = tpu.memref_slice %arg11[%dma_start3A_354, %dma_start3A_355] : memref<10240x128xf32, #tpu.memory_space<vmem_shared>> -> memref<10240x128xf32, #tpu.memory_space<vmem_shared>>
        tpu.enqueue_indirect_dma source(%dma_start3A_350 : memref<128x128xf32, #tpu.memory_space<vmem>>) target(%dma_start3A_356 : memref<10240x128xf32, #tpu.memory_space<vmem_shared>>) offsets(%dma_start3A_353 : memref<128xi32, #tpu.memory_space<vmem>>) semaphore(%run_scoped3A_346 : memref<!tpu.dma_semaphore, #tpu.memory_space<semaphore_mem>>) {add = true}
        %dma_wait3A_357 = arith.constant 0 : i32
        %dma_wait3A_358 = arith.constant 0 : i32
        %dma_wait3A_359 = tpu.memref_slice %arg7[%run_scoped3A_329, %dma_wait3A_357, %dma_wait3A_358] : memref<2x128x128xf32, #tpu.memory_space<vmem>> -> memref<1x128x128xf32, #tpu.memory_space<vmem>>
        %dma_wait3A_360 = tpu.memref_squeeze %dma_wait3A_359 : memref<1x128x128xf32, #tpu.memory_space<vmem>> -> memref<128x128xf32, #tpu.memory_space<vmem>>
        %dma_wait3A_361 = arith.constant 0 : i32
        %dma_wait3A_362 = tpu.memref_slice %arg6[%rem3A_112, %run_scoped3A_330, %dma_wait3A_361] : memref<2x8x128xi32, #tpu.memory_space<vmem>> -> memref<1x1x128xi32, #tpu.memory_space<vmem>>
        %dma_wait3A_363 = tpu.memref_squeeze %dma_wait3A_362 : memref<1x1x128xi32, #tpu.memory_space<vmem>> -> memref<128xi32, #tpu.memory_space<vmem>>
        %dma_wait3A_364 = arith.constant 0 : i32
        %dma_wait3A_365 = arith.constant 0 : i32
        %dma_wait3A_366 = tpu.memref_slice %arg11[%dma_wait3A_364, %dma_wait3A_365] : memref<10240x128xf32, #tpu.memory_space<vmem_shared>> -> memref<10240x128xf32, #tpu.memory_space<vmem_shared>>
        tpu.wait_indirect_dma semaphore(%run_scoped3A_346 : memref<!tpu.dma_semaphore, #tpu.memory_space<semaphore_mem>>) src(%dma_wait3A_360 : memref<128x128xf32, #tpu.memory_space<vmem>>) dst(%dma_wait3A_366 : memref<10240x128xf32, #tpu.memory_space<vmem_shared>>)
        tpu.yield
      }) : () -> ()
      %add3A_331 = arith.constant 1 : i32
      %add3A_332 = arith.addi %scan3A_110, %add3A_331 : i32
      %lt3A_333 = arith.constant 10 : i32
      %lt3A_334 = arith.cmpi slt, %add3A_332, %lt3A_333 : i32
      %convert_element_type3A_335 = arith.extui %lt3A_334 : i1 to i32
      %cond3A_336 = arith.constant 0 : i32
      %cond3A_337 = arith.cmpi ne, %convert_element_type3A_335, %cond3A_336 : i32
      scf.if %cond3A_337 {
        %sub3A = arith.constant 1 : i32
        %sub3A_346 = arith.subi %sub3A, %rem3A_112 : i32
        %dma_start3A_347 = arith.constant 1 : i32
        %dma_start3A_348 = arith.constant 1 : i32
        %dma_start3A_349 = arith.constant 0 : i32
        %dma_start3A_350 = arith.constant 0 : i32
        %dma_start3A_351 = tpu.memref_slice %arg7[%dma_start3A_348, %dma_start3A_349, %dma_start3A_350] : memref<2x128x128xf32, #tpu.memory_space<vmem>> -> memref<1x128x128xf32, #tpu.memory_space<vmem>>
        %dma_start3A_352 = tpu.memref_squeeze %dma_start3A_351 : memref<1x128x128xf32, #tpu.memory_space<vmem>> -> memref<128x128xf32, #tpu.memory_space<vmem>>
        %dma_start3A_353 = arith.constant 0 : i32
        %dma_start3A_354 = tpu.memref_slice %arg5[%sub3A_346, %dma_start3A_347, %dma_start3A_353] : memref<2x8x128xi32, #tpu.memory_space<vmem>> -> memref<1x1x128xi32, #tpu.memory_space<vmem>>
        %dma_start3A_355 = tpu.memref_squeeze %dma_start3A_354 : memref<1x1x128xi32, #tpu.memory_space<vmem>> -> memref<128xi32, #tpu.memory_space<vmem>>
        %dma_start3A_356 = arith.constant 0 : i32
        %dma_start3A_357 = arith.constant 0 : i32
        %dma_start3A_358 = tpu.memref_slice %arg3[%dma_start3A_356, %dma_start3A_357] : memref<10240x128xf32, #tpu.memory_space<hbm>> -> memref<10240x128xf32, #tpu.memory_space<hbm>>
        tpu.enqueue_indirect_dma source(%dma_start3A_358 : memref<10240x128xf32, #tpu.memory_space<hbm>>) target(%dma_start3A_352 : memref<128x128xf32, #tpu.memory_space<vmem>>) offsets(%dma_start3A_355 : memref<128xi32, #tpu.memory_space<vmem>>) semaphore(%arg10 : memref<!tpu.dma_semaphore, #tpu.memory_space<semaphore_mem>>)
      } else {
      }
      %add3A_338 = arith.constant 2 : i32
      %add3A_339 = arith.addi %scan3A_110, %add3A_338 : i32
      %lt3A_340 = arith.constant 10 : i32
      %lt3A_341 = arith.cmpi slt, %add3A_339, %lt3A_340 : i32
      %convert_element_type3A_342 = arith.extui %lt3A_341 : i1 to i32
      %cond3A_343 = arith.constant 0 : i32
      %cond3A_344 = arith.cmpi ne, %convert_element_type3A_342, %cond3A_343 : i32
      scf.if %cond3A_344 {
        %add3A_346 = arith.constant 2 : i32
        %add3A_347 = arith.addi %scan3A_110, %add3A_346 : i32
        %mul3A_348 = arith.constant 8 : i32
        %mul3A_349 = arith.muli %add3A_347, %mul3A_348 : i32
        %add3A_350 = arith.addi %mul3A_2, %mul3A_349 : i32
        %dma_start3A_351 = arith.constant 1 : i32
        %dma_start3A_352 = arith.constant 0 : i32
        %dma_start3A_353 = arith.constant 0 : i32
        %dma_start3A_354 = tpu.memref_slice %arg5[%rem3A_112, %dma_start3A_352, %dma_start3A_353] : memref<2x8x128xi32, #tpu.memory_space<vmem>> -> memref<1x8x128xi32, #tpu.memory_space<vmem>>
        %dma_start3A_355 = tpu.memref_squeeze %dma_start3A_354 : memref<1x8x128xi32, #tpu.memory_space<vmem>> -> memref<8x128xi32, #tpu.memory_space<vmem>>
        %dma_start3A_356 = arith.constant 0 : i32
        %dma_start3A_357 = tpu.memref_slice %arg2[%dma_start3A_351, %add3A_350, %dma_start3A_356] : memref<2x2560x128xi32, #tpu.memory_space<hbm>> -> memref<1x8x128xi32, #tpu.memory_space<hbm>>
        %dma_start3A_358 = tpu.memref_squeeze %dma_start3A_357 : memref<1x8x128xi32, #tpu.memory_space<hbm>> -> memref<8x128xi32, #tpu.memory_space<hbm>>
        %dma_start3A_359 = arith.constant 0 : i32
        %dma_start3A_360 = arith.constant 0 : i32
        %dma_start3A_361 = tpu.memref_slice %arg5[%rem3A_112, %dma_start3A_359, %dma_start3A_360] : memref<2x8x128xi32, #tpu.memory_space<vmem>> -> memref<1x8x128xi32, #tpu.memory_space<vmem>>
        %dma_start3A_362 = tpu.memref_squeeze %dma_start3A_361 : memref<1x8x128xi32, #tpu.memory_space<vmem>> -> memref<8x128xi32, #tpu.memory_space<vmem>>
        %dma_start3A_363 = arith.constant 0 : i32
        %dma_start3A_364 = tpu.memref_slice %arg2[%dma_start3A_351, %add3A_350, %dma_start3A_363] : memref<2x2560x128xi32, #tpu.memory_space<hbm>> -> memref<1x8x128xi32, #tpu.memory_space<hbm>>
        %dma_start3A_365 = tpu.memref_squeeze %dma_start3A_364 : memref<1x8x128xi32, #tpu.memory_space<hbm>> -> memref<8x128xi32, #tpu.memory_space<hbm>>
        tpu.enqueue_dma source(%dma_start3A_365 : memref<8x128xi32, #tpu.memory_space<hbm>>) target(%dma_start3A_362 : memref<8x128xi32, #tpu.memory_space<vmem>>) target_semaphore(%arg8 : memref<!tpu.dma_semaphore, #tpu.memory_space<semaphore_mem>>)
        %add3A_366 = arith.constant 2 : i32
        %add3A_367 = arith.addi %scan3A_110, %add3A_366 : i32
        %mul3A_368 = arith.constant 8 : i32
        %mul3A_369 = arith.muli %add3A_367, %mul3A_368 : i32
        %add3A_370 = arith.addi %mul3A_2, %mul3A_369 : i32
        %dma_start3A_371 = arith.constant 0 : i32
        %dma_start3A_372 = arith.constant 0 : i32
        %dma_start3A_373 = arith.constant 0 : i32
        %dma_start3A_374 = tpu.memref_slice %arg6[%rem3A_112, %dma_start3A_372, %dma_start3A_373] : memref<2x8x128xi32, #tpu.memory_space<vmem>> -> memref<1x8x128xi32, #tpu.memory_space<vmem>>
        %dma_start3A_375 = tpu.memref_squeeze %dma_start3A_374 : memref<1x8x128xi32, #tpu.memory_space<vmem>> -> memref<8x128xi32, #tpu.memory_space<vmem>>
        %dma_start3A_376 = arith.constant 0 : i32
        %dma_start3A_377 = tpu.memref_slice %arg2[%dma_start3A_371, %add3A_370, %dma_start3A_376] : memref<2x2560x128xi32, #tpu.memory_space<hbm>> -> memref<1x8x128xi32, #tpu.memory_space<hbm>>
        %dma_start3A_378 = tpu.memref_squeeze %dma_start3A_377 : memref<1x8x128xi32, #tpu.memory_space<hbm>> -> memref<8x128xi32, #tpu.memory_space<hbm>>
        %dma_start3A_379 = arith.constant 0 : i32
        %dma_start3A_380 = arith.constant 0 : i32
        %dma_start3A_381 = tpu.memref_slice %arg6[%rem3A_112, %dma_start3A_379, %dma_start3A_380] : memref<2x8x128xi32, #tpu.memory_space<vmem>> -> memref<1x8x128xi32, #tpu.memory_space<vmem>>
        %dma_start3A_382 = tpu.memref_squeeze %dma_start3A_381 : memref<1x8x128xi32, #tpu.memory_space<vmem>> -> memref<8x128xi32, #tpu.memory_space<vmem>>
        %dma_start3A_383 = arith.constant 0 : i32
        %dma_start3A_384 = tpu.memref_slice %arg2[%dma_start3A_371, %add3A_370, %dma_start3A_383] : memref<2x2560x128xi32, #tpu.memory_space<hbm>> -> memref<1x8x128xi32, #tpu.memory_space<hbm>>
        %dma_start3A_385 = tpu.memref_squeeze %dma_start3A_384 : memref<1x8x128xi32, #tpu.memory_space<hbm>> -> memref<8x128xi32, #tpu.memory_space<hbm>>
        tpu.enqueue_dma source(%dma_start3A_385 : memref<8x128xi32, #tpu.memory_space<hbm>>) target(%dma_start3A_382 : memref<8x128xi32, #tpu.memory_space<vmem>>) target_semaphore(%arg8 : memref<!tpu.dma_semaphore, #tpu.memory_space<semaphore_mem>>)
      } else {
      }
      %scan3A_345 = arith.constant 0 : i32
      scf.yield %scan3A_345 : i32
    }
    %scan3A_104 = arith.constant 10 : i32
    %barrier3A_105 = arith.constant 0 : index
    tpu.barrier barrier_id(%barrier3A_105)
    %mul3A_106 = arith.constant 640 : i32
    %mul3A_107 = arith.muli %arg1, %mul3A_106 : i32
    %mul3A_108 = arith.constant 640 : i32
    %mul3A_109 = arith.muli %arg1, %mul3A_108 : i32
    "tpu.region"() ({
      %run_scoped3A_110 = tpu.sem_alloc : memref<!tpu.dma_semaphore, #tpu.memory_space<semaphore_mem>>
      %dma_start3A_111 = arith.constant 0 : i32
      %dma_start3A_112 = tpu.memref_slice %arg4[%arg0, %mul3A_109, %dma_start3A_111] : memref<2x10240x128xf32, #tpu.memory_space<hbm>> -> memref<1x640x128xf32, #tpu.memory_space<hbm>>
      %dma_start3A_113 = tpu.memref_squeeze %dma_start3A_112 : memref<1x640x128xf32, #tpu.memory_space<hbm>> -> memref<640x128xf32, #tpu.memory_space<hbm>>
      %dma_start3A_114 = arith.constant 0 : i32
      %dma_start3A_115 = tpu.memref_slice %arg11[%mul3A_107, %dma_start3A_114] : memref<10240x128xf32, #tpu.memory_space<vmem_shared>> -> memref<640x128xf32, #tpu.memory_space<vmem_shared>>
      tpu.enqueue_dma source(%dma_start3A_115 : memref<640x128xf32, #tpu.memory_space<vmem_shared>>) target(%dma_start3A_113 : memref<640x128xf32, #tpu.memory_space<hbm>>) target_semaphore(%run_scoped3A_110 : memref<!tpu.dma_semaphore, #tpu.memory_space<semaphore_mem>>)
      %dma_wait3A = arith.constant 0 : i32
      %dma_wait3A_116 = tpu.memref_slice %arg4[%arg0, %mul3A_109, %dma_wait3A] : memref<2x10240x128xf32, #tpu.memory_space<hbm>> -> memref<1x640x128xf32, #tpu.memory_space<hbm>>
      %dma_wait3A_117 = tpu.memref_squeeze %dma_wait3A_116 : memref<1x640x128xf32, #tpu.memory_space<hbm>> -> memref<640x128xf32, #tpu.memory_space<hbm>>
      %dma_wait3A_118 = arith.constant 0 : i32
      %dma_wait3A_119 = tpu.memref_slice %arg11[%mul3A_107, %dma_wait3A_118] : memref<10240x128xf32, #tpu.memory_space<vmem_shared>> -> memref<640x128xf32, #tpu.memory_space<vmem_shared>>
      tpu.wait_dma2 semaphore(%run_scoped3A_110 : memref<!tpu.dma_semaphore, #tpu.memory_space<semaphore_mem>>) src(%dma_wait3A_119 : memref<640x128xf32, #tpu.memory_space<vmem_shared>>) dst(%dma_wait3A_117 : memref<640x128xf32, #tpu.memory_space<hbm>>)
      tpu.yield
    }) : () -> ()
    return
  }
}

#map = affine_map<(d0, d1) -> (0, 0, 0)>
#map1 = affine_map<(d0, d1) -> (0, 0)>
module attributes {stable_mosaic.version = 14 : i64} {
  func.func @_deg_body(%arg0: i32, %arg1: i32, %arg2: memref<2x2560x128xi32, #tpu.memory_space<hbm>>, %arg3: memref<2x10240xf32, #tpu.memory_space<hbm>>, %arg4: memref<80x128xi32, #tpu.memory_space<vmem>>, %arg5: memref<128xf32, #tpu.memory_space<vmem>>, %arg6: memref<128xf32, #tpu.memory_space<vmem>>, %arg7: memref<!tpu.dma_semaphore, #tpu.memory_space<semaphore_mem>>, %arg8: memref<10240xf32, #tpu.memory_space<vmem_shared>>) attributes {dimension_semantics = [#tpu.dimension_semantics<core_parallel>, #tpu.dimension_semantics<subcore_parallel>], iteration_bounds = array<i64: 2, 16>, scalar_prefetch = 0 : i64, scratch_operands = 5 : i64, tpu.core_type = #tpu.core_type<sc_vector_subcore>, window_params = [{transform_indices = #map}, {transform_indices = #map1}]} {
    %mul3A = arith.constant 16 : i32
    %mul3A_0 = arith.muli %arg0, %mul3A : i32
    %add3A = arith.addi %mul3A_0, %arg1 : i32
    %broadcast_in_dim3A = arith.constant 1.000000e+00 : f32
    %broadcast_in_dim3A_1 = vector.broadcast %broadcast_in_dim3A : f32 to vector<16xf32>
    %swap3A = arith.constant 0 : index
    %swap3A_2 = tpu.vector_load %arg5[%swap3A] {strides = array<i32>} : memref<128xf32, #tpu.memory_space<vmem>>, vector<16xf32>,
    %swap3A_3 = vector.shape_cast %swap3A_2 : vector<16xf32> to vector<16xf32>
    %swap3A_4 = vector.shape_cast %broadcast_in_dim3A_1 : vector<16xf32> to vector<16xf32>
    tpu.vector_store %arg5[%swap3A], %swap3A_4 {strides = array<i32>} : memref<128xf32, #tpu.memory_space<vmem>>, vector<16xf32>,
    %broadcast_in_dim3A_5 = arith.constant 1.000000e+00 : f32
    %broadcast_in_dim3A_6 = vector.broadcast %broadcast_in_dim3A_5 : f32 to vector<16xf32>
    %swap3A_7 = arith.constant 16 : index
    %swap3A_8 = tpu.vector_load %arg5[%swap3A_7] {strides = array<i32>} : memref<128xf32, #tpu.memory_space<vmem>>, vector<16xf32>,
    %swap3A_9 = vector.shape_cast %swap3A_8 : vector<16xf32> to vector<16xf32>
    %swap3A_10 = vector.shape_cast %broadcast_in_dim3A_6 : vector<16xf32> to vector<16xf32>
    tpu.vector_store %arg5[%swap3A_7], %swap3A_10 {strides = array<i32>} : memref<128xf32, #tpu.memory_space<vmem>>, vector<16xf32>,
    %broadcast_in_dim3A_11 = arith.constant 1.000000e+00 : f32
    %broadcast_in_dim3A_12 = vector.broadcast %broadcast_in_dim3A_11 : f32 to vector<16xf32>
    %swap3A_13 = arith.constant 32 : index
    %swap3A_14 = tpu.vector_load %arg5[%swap3A_13] {strides = array<i32>} : memref<128xf32, #tpu.memory_space<vmem>>, vector<16xf32>,
    %swap3A_15 = vector.shape_cast %swap3A_14 : vector<16xf32> to vector<16xf32>
    %swap3A_16 = vector.shape_cast %broadcast_in_dim3A_12 : vector<16xf32> to vector<16xf32>
    tpu.vector_store %arg5[%swap3A_13], %swap3A_16 {strides = array<i32>} : memref<128xf32, #tpu.memory_space<vmem>>, vector<16xf32>,
    %broadcast_in_dim3A_17 = arith.constant 1.000000e+00 : f32
    %broadcast_in_dim3A_18 = vector.broadcast %broadcast_in_dim3A_17 : f32 to vector<16xf32>
    %swap3A_19 = arith.constant 48 : index
    %swap3A_20 = tpu.vector_load %arg5[%swap3A_19] {strides = array<i32>} : memref<128xf32, #tpu.memory_space<vmem>>, vector<16xf32>,
    %swap3A_21 = vector.shape_cast %swap3A_20 : vector<16xf32> to vector<16xf32>
    %swap3A_22 = vector.shape_cast %broadcast_in_dim3A_18 : vector<16xf32> to vector<16xf32>
    tpu.vector_store %arg5[%swap3A_19], %swap3A_22 {strides = array<i32>} : memref<128xf32, #tpu.memory_space<vmem>>, vector<16xf32>,
    %broadcast_in_dim3A_23 = arith.constant 1.000000e+00 : f32
    %broadcast_in_dim3A_24 = vector.broadcast %broadcast_in_dim3A_23 : f32 to vector<16xf32>
    %swap3A_25 = arith.constant 64 : index
    %swap3A_26 = tpu.vector_load %arg5[%swap3A_25] {strides = array<i32>} : memref<128xf32, #tpu.memory_space<vmem>>, vector<16xf32>,
    %swap3A_27 = vector.shape_cast %swap3A_26 : vector<16xf32> to vector<16xf32>
    %swap3A_28 = vector.shape_cast %broadcast_in_dim3A_24 : vector<16xf32> to vector<16xf32>
    tpu.vector_store %arg5[%swap3A_25], %swap3A_28 {strides = array<i32>} : memref<128xf32, #tpu.memory_space<vmem>>, vector<16xf32>,
    %broadcast_in_dim3A_29 = arith.constant 1.000000e+00 : f32
    %broadcast_in_dim3A_30 = vector.broadcast %broadcast_in_dim3A_29 : f32 to vector<16xf32>
    %swap3A_31 = arith.constant 80 : index
    %swap3A_32 = tpu.vector_load %arg5[%swap3A_31] {strides = array<i32>} : memref<128xf32, #tpu.memory_space<vmem>>, vector<16xf32>,
    %swap3A_33 = vector.shape_cast %swap3A_32 : vector<16xf32> to vector<16xf32>
    %swap3A_34 = vector.shape_cast %broadcast_in_dim3A_30 : vector<16xf32> to vector<16xf32>
    tpu.vector_store %arg5[%swap3A_31], %swap3A_34 {strides = array<i32>} : memref<128xf32, #tpu.memory_space<vmem>>, vector<16xf32>,
    %broadcast_in_dim3A_35 = arith.constant 1.000000e+00 : f32
    %broadcast_in_dim3A_36 = vector.broadcast %broadcast_in_dim3A_35 : f32 to vector<16xf32>
    %swap3A_37 = arith.constant 96 : index
    %swap3A_38 = tpu.vector_load %arg5[%swap3A_37] {strides = array<i32>} : memref<128xf32, #tpu.memory_space<vmem>>, vector<16xf32>,
    %swap3A_39 = vector.shape_cast %swap3A_38 : vector<16xf32> to vector<16xf32>
    %swap3A_40 = vector.shape_cast %broadcast_in_dim3A_36 : vector<16xf32> to vector<16xf32>
    tpu.vector_store %arg5[%swap3A_37], %swap3A_40 {strides = array<i32>} : memref<128xf32, #tpu.memory_space<vmem>>, vector<16xf32>,
    %broadcast_in_dim3A_41 = arith.constant 1.000000e+00 : f32
    %broadcast_in_dim3A_42 = vector.broadcast %broadcast_in_dim3A_41 : f32 to vector<16xf32>
    %swap3A_43 = arith.constant 112 : index
    %swap3A_44 = tpu.vector_load %arg5[%swap3A_43] {strides = array<i32>} : memref<128xf32, #tpu.memory_space<vmem>>, vector<16xf32>,
    %swap3A_45 = vector.shape_cast %swap3A_44 : vector<16xf32> to vector<16xf32>
    %swap3A_46 = vector.shape_cast %broadcast_in_dim3A_42 : vector<16xf32> to vector<16xf32>
    tpu.vector_store %arg5[%swap3A_43], %swap3A_46 {strides = array<i32>} : memref<128xf32, #tpu.memory_space<vmem>>, vector<16xf32>,
    %broadcast_in_dim3A_47 = arith.constant 0.000000e+00 : f32
    %broadcast_in_dim3A_48 = vector.broadcast %broadcast_in_dim3A_47 : f32 to vector<16xf32>
    %swap3A_49 = arith.constant 0 : index
    %swap3A_50 = tpu.vector_load %arg6[%swap3A_49] {strides = array<i32>} : memref<128xf32, #tpu.memory_space<vmem>>, vector<16xf32>,
    %swap3A_51 = vector.shape_cast %swap3A_50 : vector<16xf32> to vector<16xf32>
    %swap3A_52 = vector.shape_cast %broadcast_in_dim3A_48 : vector<16xf32> to vector<16xf32>
    tpu.vector_store %arg6[%swap3A_49], %swap3A_52 {strides = array<i32>} : memref<128xf32, #tpu.memory_space<vmem>>, vector<16xf32>,
    %broadcast_in_dim3A_53 = arith.constant 0.000000e+00 : f32
    %broadcast_in_dim3A_54 = vector.broadcast %broadcast_in_dim3A_53 : f32 to vector<16xf32>
    %swap3A_55 = arith.constant 16 : index
    %swap3A_56 = tpu.vector_load %arg6[%swap3A_55] {strides = array<i32>} : memref<128xf32, #tpu.memory_space<vmem>>, vector<16xf32>,
    %swap3A_57 = vector.shape_cast %swap3A_56 : vector<16xf32> to vector<16xf32>
    %swap3A_58 = vector.shape_cast %broadcast_in_dim3A_54 : vector<16xf32> to vector<16xf32>
    tpu.vector_store %arg6[%swap3A_55], %swap3A_58 {strides = array<i32>} : memref<128xf32, #tpu.memory_space<vmem>>, vector<16xf32>,
    %broadcast_in_dim3A_59 = arith.constant 0.000000e+00 : f32
    %broadcast_in_dim3A_60 = vector.broadcast %broadcast_in_dim3A_59 : f32 to vector<16xf32>
    %swap3A_61 = arith.constant 32 : index
    %swap3A_62 = tpu.vector_load %arg6[%swap3A_61] {strides = array<i32>} : memref<128xf32, #tpu.memory_space<vmem>>, vector<16xf32>,
    %swap3A_63 = vector.shape_cast %swap3A_62 : vector<16xf32> to vector<16xf32>
    %swap3A_64 = vector.shape_cast %broadcast_in_dim3A_60 : vector<16xf32> to vector<16xf32>
    tpu.vector_store %arg6[%swap3A_61], %swap3A_64 {strides = array<i32>} : memref<128xf32, #tpu.memory_space<vmem>>, vector<16xf32>,
    %broadcast_in_dim3A_65 = arith.constant 0.000000e+00 : f32
    %broadcast_in_dim3A_66 = vector.broadcast %broadcast_in_dim3A_65 : f32 to vector<16xf32>
    %swap3A_67 = arith.constant 48 : index
    %swap3A_68 = tpu.vector_load %arg6[%swap3A_67] {strides = array<i32>} : memref<128xf32, #tpu.memory_space<vmem>>, vector<16xf32>,
    %swap3A_69 = vector.shape_cast %swap3A_68 : vector<16xf32> to vector<16xf32>
    %swap3A_70 = vector.shape_cast %broadcast_in_dim3A_66 : vector<16xf32> to vector<16xf32>
    tpu.vector_store %arg6[%swap3A_67], %swap3A_70 {strides = array<i32>} : memref<128xf32, #tpu.memory_space<vmem>>, vector<16xf32>,
    %broadcast_in_dim3A_71 = arith.constant 0.000000e+00 : f32
    %broadcast_in_dim3A_72 = vector.broadcast %broadcast_in_dim3A_71 : f32 to vector<16xf32>
    %swap3A_73 = arith.constant 64 : index
    %swap3A_74 = tpu.vector_load %arg6[%swap3A_73] {strides = array<i32>} : memref<128xf32, #tpu.memory_space<vmem>>, vector<16xf32>,
    %swap3A_75 = vector.shape_cast %swap3A_74 : vector<16xf32> to vector<16xf32>
    %swap3A_76 = vector.shape_cast %broadcast_in_dim3A_72 : vector<16xf32> to vector<16xf32>
    tpu.vector_store %arg6[%swap3A_73], %swap3A_76 {strides = array<i32>} : memref<128xf32, #tpu.memory_space<vmem>>, vector<16xf32>,
    %broadcast_in_dim3A_77 = arith.constant 0.000000e+00 : f32
    %broadcast_in_dim3A_78 = vector.broadcast %broadcast_in_dim3A_77 : f32 to vector<16xf32>
    %swap3A_79 = arith.constant 80 : index
    %swap3A_80 = tpu.vector_load %arg6[%swap3A_79] {strides = array<i32>} : memref<128xf32, #tpu.memory_space<vmem>>, vector<16xf32>,
    %swap3A_81 = vector.shape_cast %swap3A_80 : vector<16xf32> to vector<16xf32>
    %swap3A_82 = vector.shape_cast %broadcast_in_dim3A_78 : vector<16xf32> to vector<16xf32>
    tpu.vector_store %arg6[%swap3A_79], %swap3A_82 {strides = array<i32>} : memref<128xf32, #tpu.memory_space<vmem>>, vector<16xf32>,
    %broadcast_in_dim3A_83 = arith.constant 0.000000e+00 : f32
    %broadcast_in_dim3A_84 = vector.broadcast %broadcast_in_dim3A_83 : f32 to vector<16xf32>
    %swap3A_85 = arith.constant 96 : index
    %swap3A_86 = tpu.vector_load %arg6[%swap3A_85] {strides = array<i32>} : memref<128xf32, #tpu.memory_space<vmem>>, vector<16xf32>,
    %swap3A_87 = vector.shape_cast %swap3A_86 : vector<16xf32> to vector<16xf32>
    %swap3A_88 = vector.shape_cast %broadcast_in_dim3A_84 : vector<16xf32> to vector<16xf32>
    tpu.vector_store %arg6[%swap3A_85], %swap3A_88 {strides = array<i32>} : memref<128xf32, #tpu.memory_space<vmem>>, vector<16xf32>,
    %broadcast_in_dim3A_89 = arith.constant 0.000000e+00 : f32
    %broadcast_in_dim3A_90 = vector.broadcast %broadcast_in_dim3A_89 : f32 to vector<16xf32>
    %swap3A_91 = arith.constant 112 : index
    %swap3A_92 = tpu.vector_load %arg6[%swap3A_91] {strides = array<i32>} : memref<128xf32, #tpu.memory_space<vmem>>, vector<16xf32>,
    %swap3A_93 = vector.shape_cast %swap3A_92 : vector<16xf32> to vector<16xf32>
    %swap3A_94 = vector.shape_cast %broadcast_in_dim3A_90 : vector<16xf32> to vector<16xf32>
    tpu.vector_store %arg6[%swap3A_91], %swap3A_94 {strides = array<i32>} : memref<128xf32, #tpu.memory_space<vmem>>, vector<16xf32>,
    %mul3A_95 = arith.constant 640 : i32
    %mul3A_96 = arith.muli %arg1, %mul3A_95 : i32
    %add3A_97 = arith.constant 0 : i32
    %add3A_98 = arith.addi %mul3A_96, %add3A_97 : i32
    "tpu.region"() ({
      %run_scoped3A_135 = tpu.sem_alloc : memref<!tpu.dma_semaphore, #tpu.memory_space<semaphore_mem>>
      %dma_start3A = tpu.memref_slice %arg8[%add3A_98] : memref<10240xf32, #tpu.memory_space<vmem_shared>> -> memref<128xf32, #tpu.memory_space<vmem_shared>>
      %dma_start3A_136 = tpu.memref_slice %arg8[%add3A_98] : memref<10240xf32, #tpu.memory_space<vmem_shared>> -> memref<128xf32, #tpu.memory_space<vmem_shared>>
      tpu.enqueue_dma source(%arg6 : memref<128xf32, #tpu.memory_space<vmem>>) target(%dma_start3A_136 : memref<128xf32, #tpu.memory_space<vmem_shared>>) target_semaphore(%run_scoped3A_135 : memref<!tpu.dma_semaphore, #tpu.memory_space<semaphore_mem>>)
      %dma_wait3A = tpu.memref_slice %arg8[%add3A_98] : memref<10240xf32, #tpu.memory_space<vmem_shared>> -> memref<128xf32, #tpu.memory_space<vmem_shared>>
      %dma_wait3A_137 = tpu.memref_slice %arg8[%add3A_98] : memref<10240xf32, #tpu.memory_space<vmem_shared>> -> memref<128xf32, #tpu.memory_space<vmem_shared>>
      tpu.wait_dma2 semaphore(%run_scoped3A_135 : memref<!tpu.dma_semaphore, #tpu.memory_space<semaphore_mem>>) src(%arg6 : memref<128xf32, #tpu.memory_space<vmem>>) dst(%dma_wait3A_137 : memref<128xf32, #tpu.memory_space<vmem_shared>>)
      tpu.yield
    }) : () -> ()
    %mul3A_99 = arith.constant 640 : i32
    %mul3A_100 = arith.muli %arg1, %mul3A_99 : i32
    %add3A_101 = arith.constant 128 : i32
    %add3A_102 = arith.addi %mul3A_100, %add3A_101 : i32
    "tpu.region"() ({
      %run_scoped3A_135 = tpu.sem_alloc : memref<!tpu.dma_semaphore, #tpu.memory_space<semaphore_mem>>
      %dma_start3A = tpu.memref_slice %arg8[%add3A_102] : memref<10240xf32, #tpu.memory_space<vmem_shared>> -> memref<128xf32, #tpu.memory_space<vmem_shared>>
      %dma_start3A_136 = tpu.memref_slice %arg8[%add3A_102] : memref<10240xf32, #tpu.memory_space<vmem_shared>> -> memref<128xf32, #tpu.memory_space<vmem_shared>>
      tpu.enqueue_dma source(%arg6 : memref<128xf32, #tpu.memory_space<vmem>>) target(%dma_start3A_136 : memref<128xf32, #tpu.memory_space<vmem_shared>>) target_semaphore(%run_scoped3A_135 : memref<!tpu.dma_semaphore, #tpu.memory_space<semaphore_mem>>)
      %dma_wait3A = tpu.memref_slice %arg8[%add3A_102] : memref<10240xf32, #tpu.memory_space<vmem_shared>> -> memref<128xf32, #tpu.memory_space<vmem_shared>>
      %dma_wait3A_137 = tpu.memref_slice %arg8[%add3A_102] : memref<10240xf32, #tpu.memory_space<vmem_shared>> -> memref<128xf32, #tpu.memory_space<vmem_shared>>
      tpu.wait_dma2 semaphore(%run_scoped3A_135 : memref<!tpu.dma_semaphore, #tpu.memory_space<semaphore_mem>>) src(%arg6 : memref<128xf32, #tpu.memory_space<vmem>>) dst(%dma_wait3A_137 : memref<128xf32, #tpu.memory_space<vmem_shared>>)
      tpu.yield
    }) : () -> ()
    %mul3A_103 = arith.constant 640 : i32
    %mul3A_104 = arith.muli %arg1, %mul3A_103 : i32
    %add3A_105 = arith.constant 256 : i32
    %add3A_106 = arith.addi %mul3A_104, %add3A_105 : i32
    "tpu.region"() ({
      %run_scoped3A_135 = tpu.sem_alloc : memref<!tpu.dma_semaphore, #tpu.memory_space<semaphore_mem>>
      %dma_start3A = tpu.memref_slice %arg8[%add3A_106] : memref<10240xf32, #tpu.memory_space<vmem_shared>> -> memref<128xf32, #tpu.memory_space<vmem_shared>>
      %dma_start3A_136 = tpu.memref_slice %arg8[%add3A_106] : memref<10240xf32, #tpu.memory_space<vmem_shared>> -> memref<128xf32, #tpu.memory_space<vmem_shared>>
      tpu.enqueue_dma source(%arg6 : memref<128xf32, #tpu.memory_space<vmem>>) target(%dma_start3A_136 : memref<128xf32, #tpu.memory_space<vmem_shared>>) target_semaphore(%run_scoped3A_135 : memref<!tpu.dma_semaphore, #tpu.memory_space<semaphore_mem>>)
      %dma_wait3A = tpu.memref_slice %arg8[%add3A_106] : memref<10240xf32, #tpu.memory_space<vmem_shared>> -> memref<128xf32, #tpu.memory_space<vmem_shared>>
      %dma_wait3A_137 = tpu.memref_slice %arg8[%add3A_106] : memref<10240xf32, #tpu.memory_space<vmem_shared>> -> memref<128xf32, #tpu.memory_space<vmem_shared>>
      tpu.wait_dma2 semaphore(%run_scoped3A_135 : memref<!tpu.dma_semaphore, #tpu.memory_space<semaphore_mem>>) src(%arg6 : memref<128xf32, #tpu.memory_space<vmem>>) dst(%dma_wait3A_137 : memref<128xf32, #tpu.memory_space<vmem_shared>>)
      tpu.yield
    }) : () -> ()
    %mul3A_107 = arith.constant 640 : i32
    %mul3A_108 = arith.muli %arg1, %mul3A_107 : i32
    %add3A_109 = arith.constant 384 : i32
    %add3A_110 = arith.addi %mul3A_108, %add3A_109 : i32
    "tpu.region"() ({
      %run_scoped3A_135 = tpu.sem_alloc : memref<!tpu.dma_semaphore, #tpu.memory_space<semaphore_mem>>
      %dma_start3A = tpu.memref_slice %arg8[%add3A_110] : memref<10240xf32, #tpu.memory_space<vmem_shared>> -> memref<128xf32, #tpu.memory_space<vmem_shared>>
      %dma_start3A_136 = tpu.memref_slice %arg8[%add3A_110] : memref<10240xf32, #tpu.memory_space<vmem_shared>> -> memref<128xf32, #tpu.memory_space<vmem_shared>>
      tpu.enqueue_dma source(%arg6 : memref<128xf32, #tpu.memory_space<vmem>>) target(%dma_start3A_136 : memref<128xf32, #tpu.memory_space<vmem_shared>>) target_semaphore(%run_scoped3A_135 : memref<!tpu.dma_semaphore, #tpu.memory_space<semaphore_mem>>)
      %dma_wait3A = tpu.memref_slice %arg8[%add3A_110] : memref<10240xf32, #tpu.memory_space<vmem_shared>> -> memref<128xf32, #tpu.memory_space<vmem_shared>>
      %dma_wait3A_137 = tpu.memref_slice %arg8[%add3A_110] : memref<10240xf32, #tpu.memory_space<vmem_shared>> -> memref<128xf32, #tpu.memory_space<vmem_shared>>
      tpu.wait_dma2 semaphore(%run_scoped3A_135 : memref<!tpu.dma_semaphore, #tpu.memory_space<semaphore_mem>>) src(%arg6 : memref<128xf32, #tpu.memory_space<vmem>>) dst(%dma_wait3A_137 : memref<128xf32, #tpu.memory_space<vmem_shared>>)
      tpu.yield
    }) : () -> ()
    %mul3A_111 = arith.constant 640 : i32
    %mul3A_112 = arith.muli %arg1, %mul3A_111 : i32
    %add3A_113 = arith.constant 512 : i32
    %add3A_114 = arith.addi %mul3A_112, %add3A_113 : i32
    "tpu.region"() ({
      %run_scoped3A_135 = tpu.sem_alloc : memref<!tpu.dma_semaphore, #tpu.memory_space<semaphore_mem>>
      %dma_start3A = tpu.memref_slice %arg8[%add3A_114] : memref<10240xf32, #tpu.memory_space<vmem_shared>> -> memref<128xf32, #tpu.memory_space<vmem_shared>>
      %dma_start3A_136 = tpu.memref_slice %arg8[%add3A_114] : memref<10240xf32, #tpu.memory_space<vmem_shared>> -> memref<128xf32, #tpu.memory_space<vmem_shared>>
      tpu.enqueue_dma source(%arg6 : memref<128xf32, #tpu.memory_space<vmem>>) target(%dma_start3A_136 : memref<128xf32, #tpu.memory_space<vmem_shared>>) target_semaphore(%run_scoped3A_135 : memref<!tpu.dma_semaphore, #tpu.memory_space<semaphore_mem>>)
      %dma_wait3A = tpu.memref_slice %arg8[%add3A_114] : memref<10240xf32, #tpu.memory_space<vmem_shared>> -> memref<128xf32, #tpu.memory_space<vmem_shared>>
      %dma_wait3A_137 = tpu.memref_slice %arg8[%add3A_114] : memref<10240xf32, #tpu.memory_space<vmem_shared>> -> memref<128xf32, #tpu.memory_space<vmem_shared>>
      tpu.wait_dma2 semaphore(%run_scoped3A_135 : memref<!tpu.dma_semaphore, #tpu.memory_space<semaphore_mem>>) src(%arg6 : memref<128xf32, #tpu.memory_space<vmem>>) dst(%dma_wait3A_137 : memref<128xf32, #tpu.memory_space<vmem_shared>>)
      tpu.yield
    }) : () -> ()
    %barrier3A = arith.constant 0 : index
    tpu.barrier barrier_id(%barrier3A)
    %mul3A_115 = arith.constant 80 : i32
    %mul3A_116 = arith.muli %add3A, %mul3A_115 : i32
    %run_scoped3A = arith.constant 1 : i32
    "tpu.region"() ({
      %run_scoped3A_135 = tpu.sem_alloc : memref<!tpu.dma_semaphore, #tpu.memory_space<semaphore_mem>>
      %dma_start3A = arith.constant 0 : i32
      %dma_start3A_136 = tpu.memref_slice %arg2[%run_scoped3A, %mul3A_116, %dma_start3A] : memref<2x2560x128xi32, #tpu.memory_space<hbm>> -> memref<1x80x128xi32, #tpu.memory_space<hbm>>
      %dma_start3A_137 = tpu.memref_squeeze %dma_start3A_136 : memref<1x80x128xi32, #tpu.memory_space<hbm>> -> memref<80x128xi32, #tpu.memory_space<hbm>>
      %dma_start3A_138 = arith.constant 0 : i32
      %dma_start3A_139 = tpu.memref_slice %arg2[%run_scoped3A, %mul3A_116, %dma_start3A_138] : memref<2x2560x128xi32, #tpu.memory_space<hbm>> -> memref<1x80x128xi32, #tpu.memory_space<hbm>>
      %dma_start3A_140 = tpu.memref_squeeze %dma_start3A_139 : memref<1x80x128xi32, #tpu.memory_space<hbm>> -> memref<80x128xi32, #tpu.memory_space<hbm>>
      tpu.enqueue_dma source(%dma_start3A_140 : memref<80x128xi32, #tpu.memory_space<hbm>>) target(%arg4 : memref<80x128xi32, #tpu.memory_space<vmem>>) target_semaphore(%run_scoped3A_135 : memref<!tpu.dma_semaphore, #tpu.memory_space<semaphore_mem>>)
      %dma_wait3A = arith.constant 0 : i32
      %dma_wait3A_141 = tpu.memref_slice %arg2[%run_scoped3A, %mul3A_116, %dma_wait3A] : memref<2x2560x128xi32, #tpu.memory_space<hbm>> -> memref<1x80x128xi32, #tpu.memory_space<hbm>>
      %dma_wait3A_142 = tpu.memref_squeeze %dma_wait3A_141 : memref<1x80x128xi32, #tpu.memory_space<hbm>> -> memref<80x128xi32, #tpu.memory_space<hbm>>
      %dma_wait3A_143 = arith.constant 0 : i32
      %dma_wait3A_144 = tpu.memref_slice %arg2[%run_scoped3A, %mul3A_116, %dma_wait3A_143] : memref<2x2560x128xi32, #tpu.memory_space<hbm>> -> memref<1x80x128xi32, #tpu.memory_space<hbm>>
      %dma_wait3A_145 = tpu.memref_squeeze %dma_wait3A_144 : memref<1x80x128xi32, #tpu.memory_space<hbm>> -> memref<80x128xi32, #tpu.memory_space<hbm>>
      tpu.wait_dma2 semaphore(%run_scoped3A_135 : memref<!tpu.dma_semaphore, #tpu.memory_space<semaphore_mem>>) src(%dma_wait3A_145 : memref<80x128xi32, #tpu.memory_space<hbm>>) dst(%arg4 : memref<80x128xi32, #tpu.memory_space<vmem>>)
      tpu.yield
    }) : () -> ()
    %scan3A = arith.constant 0 : i32
    %scan3A_117 = arith.constant 0 : i32
    %scan3A_118 = arith.constant 80 : i32
    %scan3A_119 = arith.addi %scan3A_117, %scan3A_118 : i32
    %scan3A_120 = arith.constant 1 : i32
    %scan3A_121 = scf.for %scan3A_135 = %scan3A_117 to %scan3A_119 step %scan3A_120 iter_args(%scan3A_136 = %scan3A) -> (i32)  : i32 {
      %dma_start3A = arith.constant 0 : i32
      %dma_start3A_137 = tpu.memref_slice %arg4[%scan3A_135, %dma_start3A] : memref<80x128xi32, #tpu.memory_space<vmem>> -> memref<1x128xi32, #tpu.memory_space<vmem>>
      %dma_start3A_138 = tpu.memref_squeeze %dma_start3A_137 : memref<1x128xi32, #tpu.memory_space<vmem>> -> memref<128xi32, #tpu.memory_space<vmem>>
      %dma_start3A_139 = arith.constant 0 : i32
      %dma_start3A_140 = tpu.memref_slice %arg8[%dma_start3A_139] : memref<10240xf32, #tpu.memory_space<vmem_shared>> -> memref<10240xf32, #tpu.memory_space<vmem_shared>>
      tpu.enqueue_indirect_dma source(%arg5 : memref<128xf32, #tpu.memory_space<vmem>>) target(%dma_start3A_140 : memref<10240xf32, #tpu.memory_space<vmem_shared>>) offsets(%dma_start3A_138 : memref<128xi32, #tpu.memory_space<vmem>>) semaphore(%arg7 : memref<!tpu.dma_semaphore, #tpu.memory_space<semaphore_mem>>) {add = true}
      %scan3A_141 = arith.constant 0 : i32
      scf.yield %scan3A_141 : i32
    }
    %scan3A_122 = arith.constant 80 : i32
    %scan3A_123 = arith.constant 0 : i32
    %scan3A_124 = arith.constant 0 : i32
    %scan3A_125 = arith.constant 80 : i32
    %scan3A_126 = arith.addi %scan3A_124, %scan3A_125 : i32
    %scan3A_127 = arith.constant 1 : i32
    %scan3A_128 = scf.for %scan3A_135 = %scan3A_124 to %scan3A_126 step %scan3A_127 iter_args(%scan3A_136 = %scan3A_123) -> (i32)  : i32 {
      %dma_wait3A = arith.constant 1 : i32
      %dma_wait3A_137 = arith.constant 0 : i32
      %dma_wait3A_138 = arith.constant 0 : i32
      %dma_wait3A_139 = arith.constant 0 : i32
      %dma_wait3A_140 = tpu.memref_slice %arg4[%dma_wait3A_138, %dma_wait3A_139] : memref<80x128xi32, #tpu.memory_space<vmem>> -> memref<1x128xi32, #tpu.memory_space<vmem>>
      %dma_wait3A_141 = tpu.memref_squeeze %dma_wait3A_140 : memref<1x128xi32, #tpu.memory_space<vmem>> -> memref<128xi32, #tpu.memory_space<vmem>>
      %dma_wait3A_142 = arith.constant 0 : i32
      %dma_wait3A_143 = tpu.memref_slice %arg2[%dma_wait3A, %dma_wait3A_137, %dma_wait3A_142] : memref<2x2560x128xi32, #tpu.memory_space<hbm>> -> memref<1x1x128xi32, #tpu.memory_space<hbm>>
      %dma_wait3A_144 = tpu.memref_squeeze %dma_wait3A_143 : memref<1x1x128xi32, #tpu.memory_space<hbm>> -> memref<128xi32, #tpu.memory_space<hbm>>
      %dma_wait3A_145 = arith.constant 0 : i32
      %dma_wait3A_146 = tpu.memref_slice %arg4[%dma_wait3A_138, %dma_wait3A_145] : memref<80x128xi32, #tpu.memory_space<vmem>> -> memref<1x128xi32, #tpu.memory_space<vmem>>
      %dma_wait3A_147 = tpu.memref_squeeze %dma_wait3A_146 : memref<1x128xi32, #tpu.memory_space<vmem>> -> memref<128xi32, #tpu.memory_space<vmem>>
      %dma_wait3A_148 = arith.constant 0 : i32
      %dma_wait3A_149 = tpu.memref_slice %arg2[%dma_wait3A, %dma_wait3A_137, %dma_wait3A_148] : memref<2x2560x128xi32, #tpu.memory_space<hbm>> -> memref<1x1x128xi32, #tpu.memory_space<hbm>>
      %dma_wait3A_150 = tpu.memref_squeeze %dma_wait3A_149 : memref<1x1x128xi32, #tpu.memory_space<hbm>> -> memref<128xi32, #tpu.memory_space<hbm>>
      tpu.wait_dma2 semaphore(%arg7 : memref<!tpu.dma_semaphore, #tpu.memory_space<semaphore_mem>>) src(%dma_wait3A_150 : memref<128xi32, #tpu.memory_space<hbm>>) dst(%dma_wait3A_147 : memref<128xi32, #tpu.memory_space<vmem>>)
      %scan3A_151 = arith.constant 0 : i32
      scf.yield %scan3A_151 : i32
    }
    %scan3A_129 = arith.constant 80 : i32
    %barrier3A_130 = arith.constant 0 : index
    tpu.barrier barrier_id(%barrier3A_130)
    %mul3A_131 = arith.constant 640 : i32
    %mul3A_132 = arith.muli %arg1, %mul3A_131 : i32
    %mul3A_133 = arith.constant 640 : i32
    %mul3A_134 = arith.muli %arg1, %mul3A_133 : i32
    "tpu.region"() ({
      %run_scoped3A_135 = tpu.sem_alloc : memref<!tpu.dma_semaphore, #tpu.memory_space<semaphore_mem>>
      %dma_start3A = tpu.memref_slice %arg3[%arg0, %mul3A_134] : memref<2x10240xf32, #tpu.memory_space<hbm>> -> memref<1x640xf32, #tpu.memory_space<hbm>>
      %dma_start3A_136 = tpu.memref_squeeze %dma_start3A : memref<1x640xf32, #tpu.memory_space<hbm>> -> memref<640xf32, #tpu.memory_space<hbm>>
      %dma_start3A_137 = tpu.memref_slice %arg8[%mul3A_132] : memref<10240xf32, #tpu.memory_space<vmem_shared>> -> memref<640xf32, #tpu.memory_space<vmem_shared>>
      tpu.enqueue_dma source(%dma_start3A_137 : memref<640xf32, #tpu.memory_space<vmem_shared>>) target(%dma_start3A_136 : memref<640xf32, #tpu.memory_space<hbm>>) target_semaphore(%run_scoped3A_135 : memref<!tpu.dma_semaphore, #tpu.memory_space<semaphore_mem>>)
      %dma_wait3A = tpu.memref_slice %arg3[%arg0, %mul3A_134] : memref<2x10240xf32, #tpu.memory_space<hbm>> -> memref<1x640xf32, #tpu.memory_space<hbm>>
      %dma_wait3A_138 = tpu.memref_squeeze %dma_wait3A : memref<1x640xf32, #tpu.memory_space<hbm>> -> memref<640xf32, #tpu.memory_space<hbm>>
      %dma_wait3A_139 = tpu.memref_slice %arg8[%mul3A_132] : memref<10240xf32, #tpu.memory_space<vmem_shared>> -> memref<640xf32, #tpu.memory_space<vmem_shared>>
      tpu.wait_dma2 semaphore(%run_scoped3A_135 : memref<!tpu.dma_semaphore, #tpu.memory_space<semaphore_mem>>) src(%dma_wait3A_139 : memref<640xf32, #tpu.memory_space<vmem_shared>>) dst(%dma_wait3A_138 : memref<640xf32, #tpu.memory_space<hbm>>)
      tpu.yield
    }) : () -> ()
    return
  }
}

module attributes {stable_mosaic.version = 14 : i64} {
  func.func @_dense_body(%arg0: i32, %arg1: memref<2048x128xf32, #tpu.memory_space<vmem>>, %arg2: memref<128x128xf32, #tpu.memory_space<vmem>>, %arg3: memref<2x2048xf32, #tpu.memory_space<vmem>>, %arg4: memref<128xf32, #tpu.memory_space<vmem>>, %arg5: memref<2048x128xf32, #tpu.memory_space<vmem>>, %arg6: memref<2048x128xf32, #tpu.memory_space<vmem>>) attributes {dimension_semantics = [#tpu.dimension_semantics<arbitrary>], iteration_bounds = array<i64: 5>, scalar_prefetch = 0 : i64, scratch_operands = 0 : i64, tpu.core_type = #tpu.core_type<tc>, window_params = [{transform_indices = @transform_0, window_bounds = array<i64: 2048, 128>}, {pipeline_mode = #tpu.pipeline_mode<synchronous>, transform_indices = @transform_1, window_bounds = array<i64: 128, 128>}, {transform_indices = @transform_2, window_bounds = array<i64: 2, 2048>}, {pipeline_mode = #tpu.pipeline_mode<synchronous>, transform_indices = @transform_3, window_bounds = array<i64: 128>}, {transform_indices = @transform_4, window_bounds = array<i64: 2048, 128>}, {transform_indices = @transform_5, window_bounds = array<i64: 2048, 128>}]} {
    %get3A = arith.constant 0 : index
    %get3A_0 = arith.constant 0 : index
    %get3A_1 = vector.load %arg1[%get3A, %get3A_0] : memref<2048x128xf32, #tpu.memory_space<vmem>>, vector<2048x128xf32>
    %get3A_2 = arith.constant 0 : index
    %get3A_3 = arith.constant 0 : index
    %get3A_4 = vector.load %arg2[%get3A_2, %get3A_3] : memref<128x128xf32, #tpu.memory_space<vmem>>, vector<128x128xf32>
    %dot_general3A = arith.constant dense<0.000000e+00> : vector<2048x128xf32>
    %dot_general3A_5 = tpu.matmul %get3A_1, %get3A_4, %dot_general3A {dimension_numbers = #tpu.dot_dimension_numbers<[1], [0], [0], [1], [0, 0, 1, 1], [], []>, transpose_lhs_hint = false} : vector<2048x128xf32>, vector<128x128xf32>, vector<2048x128xf32> -> vector<2048x128xf32>
    %get3A_6 = arith.constant 0 : index
    %get3A_7 = arith.constant 0 : index
    %get3A_8 = vector.load %arg3[%get3A_6, %get3A_7] : memref<2x2048xf32, #tpu.memory_space<vmem>>, vector<1x2048xf32>
    %get3A_9 = vector.shape_cast %get3A_8 : vector<1x2048xf32> to vector<2048xf32>
    %get3A_10 = arith.constant 1 : index
    %get3A_11 = arith.constant 0 : index
    %get3A_12 = vector.load %arg3[%get3A_10, %get3A_11] : memref<2x2048xf32, #tpu.memory_space<vmem>>, vector<1x2048xf32>
    %get3A_13 = vector.shape_cast %get3A_12 : vector<1x2048xf32> to vector<2048xf32>
    %add3A = arith.addf %get3A_9, %get3A_13 : vector<2048xf32>
    %div3A = arith.constant 1.000000e+00 : f32
    %div3A_14 = vector.broadcast %div3A : f32 to vector<2048xf32>
    %div3A_15 = arith.divf %div3A_14, %add3A : vector<2048xf32>
    %broadcast_in_dim3A = vector.shape_cast %div3A_15 : vector<2048xf32> to vector<2048x1xf32>
    %mul3A = vector.broadcast %broadcast_in_dim3A : vector<2048x1xf32> to vector<2048x128xf32>
    %mul3A_16 = arith.mulf %dot_general3A_5, %mul3A : vector<2048x128xf32>
    %swap3A = arith.constant 0 : index
    %swap3A_17 = arith.constant 0 : index
    %swap3A_18 = vector.load %arg5[%swap3A, %swap3A_17] : memref<2048x128xf32, #tpu.memory_space<vmem>>, vector<2048x128xf32>
    tpu.vector_store %arg5[%swap3A, %swap3A_17], %mul3A_16 {strides = array<i32>} : memref<2048x128xf32, #tpu.memory_space<vmem>>, vector<2048x128xf32>,
    %mul3A_19 = arith.constant 0.833333313 : f32
    %mul3A_20 = vector.broadcast %mul3A_19 : f32 to vector<2048x128xf32>
    %mul3A_21 = arith.mulf %dot_general3A_5, %mul3A_20 : vector<2048x128xf32>
    %get3A_22 = arith.constant 0 : index
    %get3A_23 = vector.load %arg4[%get3A_22] : memref<128xf32, #tpu.memory_space<vmem>>, vector<128xf32>
    %broadcast_in_dim3A_24 = vector.shape_cast %get3A_23 : vector<128xf32> to vector<1x128xf32>
    %add3A_25 = vector.broadcast %broadcast_in_dim3A_24 : vector<1x128xf32> to vector<2048x128xf32>
    %add3A_26 = arith.addf %mul3A_21, %add3A_25 : vector<2048x128xf32>
    %swap3A_27 = arith.constant 0 : index
    %swap3A_28 = arith.constant 0 : index
    %swap3A_29 = vector.load %arg6[%swap3A_27, %swap3A_28] : memref<2048x128xf32, #tpu.memory_space<vmem>>, vector<2048x128xf32>
    tpu.vector_store %arg6[%swap3A_27, %swap3A_28], %add3A_26 {strides = array<i32>} : memref<2048x128xf32, #tpu.memory_space<vmem>>, vector<2048x128xf32>,
    return
  }
  func.func @transform_0(%arg0: i32) -> (i32, i32) {
    %c0_i32 = arith.constant 0 : i32
    %c0_i32_0 = arith.constant 0 : i32
    return %arg0, %c0_i32 : i32, i32
  }
  func.func @transform_1(%arg0: i32) -> (i32, i32) {
    %c0_i32 = arith.constant 0 : i32
    %c0_i32_0 = arith.constant 0 : i32
    %c0_i32_1 = arith.constant 0 : i32
    return %c0_i32, %c0_i32_0 : i32, i32
  }
  func.func @transform_2(%arg0: i32) -> (i32, i32) {
    %c0_i32 = arith.constant 0 : i32
    %c0_i32_0 = arith.constant 0 : i32
    return %c0_i32, %arg0 : i32, i32
  }
  func.func @transform_3(%arg0: i32) -> i32 {
    %c0_i32 = arith.constant 0 : i32
    %c0_i32_0 = arith.constant 0 : i32
    return %c0_i32 : i32
  }
  func.func @transform_4(%arg0: i32) -> (i32, i32) {
    %c0_i32 = arith.constant 0 : i32
    %c0_i32_0 = arith.constant 0 : i32
    return %arg0, %c0_i32 : i32, i32
  }
  func.func @transform_5(%arg0: i32) -> (i32, i32) {
    %c0_i32 = arith.constant 0 : i32
    %c0_i32_0 = arith.constant 0 : i32
    return %arg0, %c0_i32 : i32, i32
  }
}

module attributes {stable_mosaic.version = 14 : i64} {
  func.func @_combine_body(%arg0: i32, %arg1: memref<2000x128xf32, #tpu.memory_space<vmem>>, %arg2: memref<2x2000x128xf32, #tpu.memory_space<vmem>>, %arg3: memref<2000x128xf32, #tpu.memory_space<vmem>>) attributes {dimension_semantics = [#tpu.dimension_semantics<arbitrary>], iteration_bounds = array<i64: 5>, scalar_prefetch = 0 : i64, scratch_operands = 0 : i64, tpu.core_type = #tpu.core_type<tc>, window_params = [{transform_indices = @transform_0, window_bounds = array<i64: 2000, 128>}, {transform_indices = @transform_1, window_bounds = array<i64: 2, 2000, 128>}, {transform_indices = @transform_2, window_bounds = array<i64: 2000, 128>}]} {
    %get3A = arith.constant 0 : index
    %get3A_0 = arith.constant 0 : index
    %get3A_1 = vector.load %arg1[%get3A, %get3A_0] : memref<2000x128xf32, #tpu.memory_space<vmem>>, vector<2000x128xf32>
    %get3A_2 = arith.constant 0 : index
    %get3A_3 = arith.constant 0 : index
    %get3A_4 = arith.constant 0 : index
    %get3A_5 = vector.load %arg2[%get3A_2, %get3A_3, %get3A_4] : memref<2x2000x128xf32, #tpu.memory_space<vmem>>, vector<1x2000x128xf32>
    %get3A_6 = vector.shape_cast %get3A_5 : vector<1x2000x128xf32> to vector<2000x128xf32>
    %get3A_7 = arith.constant 1 : index
    %get3A_8 = arith.constant 0 : index
    %get3A_9 = arith.constant 0 : index
    %get3A_10 = vector.load %arg2[%get3A_7, %get3A_8, %get3A_9] : memref<2x2000x128xf32, #tpu.memory_space<vmem>>, vector<1x2000x128xf32>
    %get3A_11 = vector.shape_cast %get3A_10 : vector<1x2000x128xf32> to vector<2000x128xf32>
    %add3A = arith.addf %get3A_6, %get3A_11 : vector<2000x128xf32>
    %mul3A = arith.constant 0.166666672 : f32
    %mul3A_12 = vector.broadcast %mul3A : f32 to vector<2000x128xf32>
    %mul3A_13 = arith.mulf %add3A, %mul3A_12 : vector<2000x128xf32>
    %add3A_14 = arith.addf %get3A_1, %mul3A_13 : vector<2000x128xf32>
    %swap3A = arith.constant 0 : index
    %swap3A_15 = arith.constant 0 : index
    %swap3A_16 = vector.load %arg3[%swap3A, %swap3A_15] : memref<2000x128xf32, #tpu.memory_space<vmem>>, vector<2000x128xf32>
    tpu.vector_store %arg3[%swap3A, %swap3A_15], %add3A_14 {strides = array<i32>} : memref<2000x128xf32, #tpu.memory_space<vmem>>, vector<2000x128xf32>,
    return
  }
  func.func @transform_0(%arg0: i32) -> (i32, i32) {
    %c0_i32 = arith.constant 0 : i32
    %c0_i32_0 = arith.constant 0 : i32
    return %arg0, %c0_i32 : i32, i32
  }
  func.func @transform_1(%arg0: i32) -> (i32, i32, i32) {
    %c0_i32 = arith.constant 0 : i32
    %c0_i32_0 = arith.constant 0 : i32
    %c0_i32_1 = arith.constant 0 : i32
    return %c0_i32, %arg0, %c0_i32_0 : i32, i32, i32
  }
  func.func @transform_2(%arg0: i32) -> (i32, i32) {
    %c0_i32 = arith.constant 0 : i32
    %c0_i32_0 = arith.constant 0 : i32
    return %arg0, %c0_i32 : i32, i32
  }
}

</mosaic_0001>

<sc_bundles>
// kernel: kernel.6.cloned.1.call-start
scs
__scs_entry_jumppad:
0x0: {  	(pc) =	sbr.rel $0x88, $3  }
0x1: {  	(tag) =	ssettag $0x0;
	lr =	simm.s32 $0x1  }
0x2: {  	[smem:$0x3F9D] =	sst lr;
	_ =	strace $0xD0000000  }
0x3: {  	_ = 	snop  }
0x4: {  	_ = 	snop  }
0x5: {  	_ = 	snop  }
0x6: {  	_ = 	snop  }
0x7: {  	_ = 	snop  }
__scs_overlays_trampoline_lowered:
0x8: {  	[smem:$0x3FAC] =	sst s0  }
0x9: {  	[smem:$0x3FAD] =	sst s1  }
0xa: {  	[smem:$0x3FAE] =	sst s2  }
0xb: {  	[smem:$0x3FAF] =	sst s3  }
0xc: {  	[smem:$0x3FB0] =	sst s4  }
0xd: {  	[smem:$0x3FB1] =	sst s5  }
0xe: {  	[smem:$0x3FB2] =	sst s6  }
0xf: {  	[smem:$0x3FB3] =	sst s7  }
0x10: {  	[smem:$0x3FB4] =	sst s8  }
0x11: {  	[smem:$0x3FB5] =	sst s9;
	s0 =	simm.s32 @!p0 $0x0  }
0x12: {  	s1 =	sld [smem:$0x3F9B];
	s0 =	simm.s32 @p0 $0x1  }
0x13: {  	[smem:$0x3FB6] =	sst s0;
	s0 =	simm.s32 @!p1 $0x0  }
0x14: {  	s2 =	sld [smem:$0x3F9A];
	s0 =	simm.s32 @p1 $0x1  }
0x15: {  	[smem:$0x3FB7] =	sst s0;
	s0 =	simm.s32 @!p2 $0x0  }
0x16: {  	s3 =	sld [smem:$0x3FDB];
	s0 =	simm.s32 @p2 $0x1  }
0x17: {  	s4 =	simm.s32 $0x1BF5;
	[smem:$0x3FB9] =	sst s0  }
0x18: {  	s0 =	sld [smem:$0x3F9C];
	_ =	swait.ge [sflag:s4], $0x0  }
0x19: {  	s7 =	sld [smem:$0x3F9D]  }
0x1a: {  	s8 =	sadd.s32 $0xFFFFE003, lr  }
0x1b: {  	s9 =	sadd.s32 $0xFFFFFEF7, lr;
	s5 =	simm.s32 $0xFFFFFFFF;
	p2 =	slt.u32 s8, $0xFFFFF086  }
0x1c: {  	p1 =	slt.u32 s9, $0xF7A;
	s5 =	simm.s32 @!p2 $0x0  }
0x1d: {  	s5 =	simm.s32 @p1 $0x1;
	p0 =	seq.s32 s7, s2  }
0x1e: {  	s7 =	smul.u32 @!p0 $0xF7A, s2;
	p2 =	seq.s32 @!p0 s5, $0x0  }
0x1f: {  	s9 =	smul.u32 $0xF7A, s1;
	s8 =	simm.s32 @!p0 $0x1BF5;
	p2 =	por !p2, p0  }
0x20: {  	[sflag:s8] =	ssyncset.s32 @!p0 $0xFFFFF086;
	s6 =	sadd.s32 @!p0 s3, s7;
	s7 =	simm.s32 @!p0 $0x108  }
0x21: {  	s3 =	sadd.s32 s3, s9;
	s6 =	sadd.s32 @!p0 $0x88, s6;
	s7 =	simm.s32 @p2 $0x1082  }
0x22: {  	[simem:s7], [sflag:s8] =	dma.local @!p0 [hbm:s6], $0xF7A  }
0x23: {  	s9 =	sor.u32 $0xD0000000, s2;
	s6 =	simm.s32 $0x108;
	_ =	swait.ge @!p0 [sflag:s8], $0x0  }
0x24: {  	s3 =	sadd.s32 $0x88, s3;
	s6 =	simm.s32 @!p1 $0x1082;
	[sflag:s4] =	ssyncset.s32 $0xFFFFF086  }
0x25: {  	[simem:s6], [sflag:s4] =	dma.local [hbm:s3], $0xF7A  }
0x26: {  	[smem:$0x3F9D] =	sst s1;
	(tag) =	ssettag s2;
	_ =	strace s9  }
0x27: {  	s1 =	sld [smem:$0x3FAD]  }
0x28: {  	s2 =	sld [smem:$0x3FAE]  }
0x29: {  	s4 =	sld [smem:$0x3FB0]  }
0x2a: {  	p0 =	seq.s32 s5, $0x0;
	s5 =	sld [smem:$0x3FB1]  }
0x2b: {  	s6 =	sld [smem:$0x3FB2]  }
0x2c: {  	s7 =	sld [smem:$0x3FB3]  }
0x2d: {  	s3 =	simm.s32 $0x108;
	s8 =	sld [smem:$0x3FB4]  }
0x2e: {  	s3 =	simm.s32 @!p0 $0x1082;
	s9 =	sld [smem:$0x3FB5]  }
0x2f: {  	lr =	sadd.s32 s0, s3;
	s0 =	sld [smem:$0x3FAC]  }
0x30: {  	s3 =	sld [smem:$0x3FAF]  }
0x31: {  	[smem:$0x3FB8] =	sst s10  }
0x32: {  	s10 =	sld [smem:$0x3FB6];
	_ =	sdelay $0x3  }
0x33: {  	p0 =	seq.s32 s10, $0x1;
	s10 =	sld [smem:$0x3FB8];
	_ =	sdelay $0x3  }
0x34: {  	[smem:$0x3FB8] =	sst s10  }
0x35: {  	s10 =	sld [smem:$0x3FB7];
	_ =	sdelay $0x3  }
0x36: {  	p1 =	seq.s32 s10, $0x1;
	s10 =	sld [smem:$0x3FB8];
	_ =	sdelay $0x3  }
0x37: {  	[smem:$0x3FB8] =	sst s10  }
0x38: {  	s10 =	sld [smem:$0x3FB9]  }
0x39: {  	_ = 	snop;
	(pc) =	sbr.ind lr, $3  }
0x3a: {  	_ = 	snop  }
0x3b: {  	_ = 	snop  }
0x3c: {  	p2 =	seq.s32 s10, $0x1;
	s10 =	sld [smem:$0x3FB8]  }
0x3d: {  	_ =	shalt  }
0x3e: {  	_ =	shalt  }
0x3f: {  	_ =	shalt  }
0x40: {  	_ =	shalt  }
0x41: {  	_ =	shalt  }
0x42: {  	_ =	shalt  }
0x43: {  	_ =	shalt  }
0x44: {  	_ =	shalt  }
0x45: {  	_ =	shalt  }
0x46: {  	_ =	shalt  }
0x47: {  	_ =	shalt  }
0x48: {  	_ =	shalt  }
0x49: {  	_ =	shalt  }
0x4a: {  	_ =	shalt  }
0x4b: {  	_ =	shalt  }
0x4c: {  	_ =	shalt  }
0x4d: {  	_ =	shalt  }
0x4e: {  	_ =	shalt  }
0x4f: {  	_ =	shalt  }
0x50: {  	_ =	shalt  }
0x51: {  	_ =	shalt  }
0x52: {  	_ =	shalt  }
0x53: {  	_ =	shalt  }
0x54: {  	_ =	shalt  }
0x55: {  	_ =	shalt  }
0x56: {  	_ =	shalt  }
0x57: {  	_ =	shalt  }
0x58: {  	_ =	shalt  }
0x59: {  	_ =	shalt  }
0x5a: {  	_ =	shalt  }
0x5b: {  	_ =	shalt  }
0x5c: {  	_ =	shalt  }
0x5d: {  	_ =	shalt  }
0x5e: {  	_ =	shalt  }
0x5f: {  	_ =	shalt  }
0x60: {  	_ =	shalt  }
0x61: {  	_ =	shalt  }
0x62: {  	_ =	shalt  }
0x63: {  	_ =	shalt  }
0x64: {  	_ =	shalt  }
0x65: {  	_ =	shalt  }
0x66: {  	_ =	shalt  }
0x67: {  	_ =	shalt  }
0x68: {  	_ =	shalt  }
0x69: {  	_ =	shalt  }
0x6a: {  	_ =	shalt  }
0x6b: {  	_ =	shalt  }
0x6c: {  	_ =	shalt  }
0x6d: {  	_ =	shalt  }
0x6e: {  	_ =	shalt  }
0x6f: {  	_ =	shalt  }
0x70: {  	_ =	shalt  }
0x71: {  	_ =	shalt  }
0x72: {  	_ =	shalt  }
0x73: {  	_ =	shalt  }
0x74: {  	_ =	shalt  }
0x75: {  	_ =	shalt  }
0x76: {  	_ =	shalt  }
0x77: {  	_ =	shalt  }
0x78: {  	_ =	shalt  }
0x79: {  	_ =	shalt  }
0x7a: {  	_ =	shalt  }
0x7b: {  	_ =	shalt  }
0x7c: {  	_ =	shalt  }
0x7d: {  	_ =	shalt  }
0x7e: {  	_ =	shalt  }
0x7f: {  	_ =	shalt  }
0x80: {  	_ =	shalt  }
0x81: {  	_ =	shalt  }
0x82: {  	_ =	shalt  }
0x83: {  	_ =	shalt  }
0x84: {  	_ =	shalt  }
0x85: {  	_ =	shalt  }
0x86: {  	_ =	shalt  }
0x87: {  	_ =	shalt  }
.Lfunc_end0:
.L_simem_size_0:
called_computation_lowered:
.L_overlay_start_0:
0x88: {  	s2 =	sld [smem:$0x3FD9]  }
0x89: {  	s3 =	sld [smem:$0x3FFE];
	_ =	sdelay $0x1  }
0x8a: {  	s1 =	srdreg.scid  }
0x8b: {  	s0 =	sand.u32 $0x1, s1  }
0x8c: {  	s17 =	sshll.u32 s0, $0xA;
	s2 =	sadd.s32 s3, s2  }
0x8d: {  	s2 =	sadd.s32 s2, s17  }
0x8e: {  	[smem:$0x3FC4] =	sst s2  }
0x8f: {  	_ = 	snop  }
0x90: {  	s2 =	sld [smem:$0x3FD0];
	(tm) =	ssettm $0x1  }
0x91: {  	s18 =	sld [smem:$0x3FFB];
	_ =	sdelay $0x3  }
0x92: {  	_ =	strace s18  }
0x93: {  	s3 =	sld [smem:$0x3FFC];
	_ =	sdelay $0x3  }
0x94: {  	_ =	strace s3  }
0x95: {  	s3 =	sld [smem:$0x3FFD];
	_ =	sdelay $0x3  }
0x96: {  	_ =	strace s3  }
0x97: {  	_ =	strace $0x8FFFFFFF  }
0x98: {  	s19 =	sld [smem:$0x3FDB];
	_ =	sdelay $0x1  }
0x99: {  	s4 =	simm.s32 $_scs_section_size  }
0x9a: {  	s5 =	simm.s32 $_size__tile_overlayer_lowered;
	s6 =	simm.s32 $_tile_overlayer_lowered  }
0x9b: {  	s22 =	simm.s32 $0x1BFF;
	s21 =	sshll.u32 s6, $0x1;
	s3 =	sadd.s32 s4, s19  }
0x9c: {  	s7 =	simm.s32 $0x0;
	s20 =	sshll.u32 s5, $0x1;
	s5 =	sadd.s32 s21, s3  }
0x9d: {  	[timem:s7], [sflag:s22] =	dma.local [hbm:s5], s20  }
0x9e: {  	_ =	swait.ge [sflag:s22], s20  }
0x9f: {  	s4 =	ssub.s32 $0x0, s20;
	[sflag:s22] =	ssyncset.done $0x0  }
0xa0: {  	[sflag:s22] =	ssyncadd.s32 s4;
	_ =	sdelay $0x1  }
0xa1: {  	s23 =	simm.s32 $0x1B8B  }
0xa2: {  	_ =	swait.ge [sflag:s23], $0x1  }
0xa3: {  	[sflag:s23] =	ssyncset.done $0x0  }
0xa4: {  	s25 =	simm.s32 $0x1B8E;
	s24 =	sld [smem:$0x3FFE];
	[sflag:s23] =	ssyncadd.s32 $0xFFFFFFFF  }
0xa5: {  	s26 =	simm.s32 $execute0_lowered;
	[smem:$0x3FD2] =	sst s25  }
0xa6: {  	s5 =	sshll.u32 s26, $0x1;
	_ =	strace $0x80000046;
	[dreg:$0x1] =	wrdreg $0xFFFFFFFF  }
0xa7: {  	s28 =	simm.s32 $_size_execute0_lowered;
	s3 =	sadd.s32 s3, s5;
	[dreg:$0x0] =	wrdreg $0x0  }
0xa8: {  	s5 =	sshll.u32 s28, $0x1;
	[dreg:$0x2] =	wrdreg s3  }
0xa9: {  	[dreg:$0x3] =	wrdreg s5  }
0xaa: {  	[dreg:$0x4] =	wrdreg $0xC0  }
0xab: {  	_ =	task [dreg:s7], $0x5FFFF  }
0xac: {  	[dreg:$0x1] =	wrdreg $0xFFFFFFFF  }
0xad: {  	[dreg:$0x0] =	wrdreg $0x60  }
0xae: {  	[dreg:$0x2] =	wrdreg s2  }
0xaf: {  	[dreg:$0x3] =	wrdreg s24  }
0xb0: {  	[dreg:$0x4] =	wrdreg $0x29000  }
0xb1: {  	[dreg:$0x5] =	wrdreg $0x9  }
0xb2: {  	_ =	task.clear_ibuf [dreg:s7], $0x6FFFF;
	_ =	strace $0x90000046  }
0xb3: {  	s29 =	simm.s32 $0x9;
	_ =	strace $0x80000048  }
0xb4: {  	_ =	swait.ge [sflag:s29], $0x1  }
0xb5: {  	[sflag:s29] =	ssyncadd.s32 $0xFFFFFFFF  }
0xb6: {  	_ =	strace $0x90000048  }
0xb7: {  	_ =	sfence  }
0xb8: {  	s30 =	sld [smem:$0x0];
	_ =	sdelay $0x2  }
0xb9: {  	s31 =	sshll.u32 s1, $0xD;
	s1 =	sshrl.u32 s1, $0x2  }
0xba: {  	s3 =	sand.u32 $0x4000, s31;
	s1 =	sadd.s32 s1, s30  }
0xbb: {  	s0 =	sor.u32 s3, s0;
	s1 =	sshll.u32 s1, $0x11  }
0xbc: {  	s0 =	sor.u32 s1, s0  }
0xbd: {  	s0 =	sadd.s32 $0x8F2B, s0  }
0xbe: {  	[sflag:s0] =	ssyncadd.remote.s32 $0x1  }
0xbf: {  	_ =	sfence.sel $0xFFFF  }
0xc0: {  	[dreg:$0x0] =	wrdreg $0xFFFFFFFF;
	(pc) =	sbr.abs _section_cstart, $3  }
0xc1: {  	[dreg:$0x1] =	wrdreg $0xFFFFFFFF  }
0xc2: {  	_ =	task.clear_ibuf [dreg:s7], $0x2FFFF;
	_ =	strace $0x9FFFFFFF  }
0xc3: {  	(tm) =	ssettm $0x7FFFFFFF  }
tec
execute0_lowered:
.L_overlay_start_1:
0x0: {  	(tag) =	ssettag $0x1  }
0x1: {  	s8 =	rddreg [dreg:$0x0]  }
0x2: {  	s4 =	rddreg [dreg:$0x1]  }
0x3: {  	s2 =	rddreg [dreg:$0x2]  }
0x4: {  	s0 =	rddreg [dreg:$0x3];
	s5 =	srdreg.scid  }
0x5: {  	s1 =	stileid.u32;
	s3 =	simm.s32 $0x0;
	s12 =	simm.s32 $0x2880  }
0x6: {  	s13 =	simm.s32 $0x2;
	s14 =	simm.s32 $0x80;
	s15 =	simm.s32 $0x2800  }
0x7: {  	s16 =	simm.s32 $0x1;
	s19 =	simm.s32 $0x20;
	s20 =	simm.s32 $0x10  }
0x8: {  	s21 =	simm.s32 $0x0;
	s5 =	sand.u32 $0x1, s5;
	s6 =	smul.u32 $0x500, s1  }
0x9: {  	[smem:$0x7FF] =	sst s3;
	s30 =	smul.u32 $0xA00, s1;
	s17 =	sshll.u32 s1, $0x6  }
0xa: {  	s7 =	sshll.u32 s5, $0x7;
	s9 =	sshll.u32 s5, $0x4;
	_ =	strace $0x80000047  }
0xb: {  	s5 =	ssub.s32 $0x2, s5;
	s17 =	sor.u32 $0x1C02, s17;
	s6 =	sor.u32 s7, s6  }
0xc: {  	s9 =	sor.u32 s1, s9;
	s7 =	sshrl.u32 s30, $0x2;
	s31 =	sshrl.u32 s5, $0x1  }
0xd: {  	s6 =	sshrl.u32 s6, $0x3;
	s9 =	smul.u32 $0x2800, s9;
	s11 =	ssub.s32 s5, s31  }
0xe: {  	s10 =	sadd.s32 s6, s4;
	s4 =	sadd.s32 s7, s2;
	s11 =	smax.u32 s11, $0x1  }
0xf: {  	s5 =	sadd.s32 $0x80, s4;
	s9 =	sshrl.u32 s9, $0x3;
	s6 =	sadd.s32 $0x100, s4  }
0x10: {  	s7 =	sadd.s32 $0x180, s4;
	s10 =	sadd.s32 $0x1C00, s10;
	s9 =	sadd.s32 s8, s9  }
0x11: {  	v0 =	vimm.f32 $1.000000000e+00;
	v1 =	vimm.f32 $0.0e+00;
	s18 =	sshrl.u32 s4, $0x3;
	s8 =	sadd.s32 $0x200, s4;
	s9 =	sadd.s32 $0xA000, s9  }
.LBB2_1:
0x12: {  	[tilespmem:$0x2800] =	vst v0  }
0x13: {  	[tilespmem:$0x2810] =	vst v0  }
0x14: {  	[tilespmem:$0x2820] =	vst v0  }
0x15: {  	[tilespmem:$0x2830] =	vst v0  }
0x16: {  	[tilespmem:$0x2840] =	vst v0  }
0x17: {  	[tilespmem:$0x2850] =	vst v0  }
0x18: {  	[tilespmem:$0x2860] =	vst v0  }
0x19: {  	[tilespmem:$0x2870] =	vst v0  }
0x1a: {  	[tilespmem:$0x2880] =	vst v1  }
0x1b: {  	[tilespmem:$0x2890] =	vst v1  }
0x1c: {  	[tilespmem:$0x28A0] =	vst v1  }
0x1d: {  	[tilespmem:$0x28B0] =	vst v1  }
0x1e: {  	[tilespmem:$0x28C0] =	vst v1  }
0x1f: {  	[tilespmem:$0x28D0] =	vst v1  }
0x20: {  	[tilespmem:$0x28E0] =	vst v1  }
0x21: {  	[tilespmem:$0x28F0] =	vst v1  }
0x22: {  	[spmem:s4] =	stream.linear.scatter [tilespmem:s12], [sflag:$0x2], $0x80, $0x38;
	[tilespmem:$0x2B80] =	vst v63  }
0x23: {  	_ =	swait.ge [sflag:s13], $0x80  }
0x24: {  	[sflag:s13] =	ssyncset.done $0x0  }
0x25: {  	[sflag:s13] =	ssyncadd.s32 $0xFFFFFF80  }
0x26: {  	[spmem:s5] =	stream.linear.scatter [tilespmem:s12], [sflag:$0x2], $0x80, $0x38;
	[tilespmem:$0x2B80] =	vst v63  }
0x27: {  	_ =	swait.ge [sflag:s13], $0x80  }
0x28: {  	[sflag:s13] =	ssyncset.done $0x0  }
0x29: {  	[sflag:s13] =	ssyncadd.s32 $0xFFFFFF80  }
0x2a: {  	[spmem:s6] =	stream.linear.scatter [tilespmem:s12], [sflag:$0x2], $0x80, $0x38;
	[tilespmem:$0x2B80] =	vst v63  }
0x2b: {  	_ =	swait.ge [sflag:s13], $0x80  }
0x2c: {  	[sflag:s13] =	ssyncset.done $0x0  }
0x2d: {  	[sflag:s13] =	ssyncadd.s32 $0xFFFFFF80  }
0x2e: {  	[spmem:s7] =	stream.linear.scatter [tilespmem:s12], [sflag:$0x2], $0x80, $0x38;
	[tilespmem:$0x2B80] =	vst v63  }
0x2f: {  	_ =	swait.ge [sflag:s13], $0x80  }
0x30: {  	[sflag:s13] =	ssyncset.done $0x0  }
0x31: {  	[sflag:s13] =	ssyncadd.s32 $0xFFFFFF80  }
0x32: {  	[spmem:s8] =	stream.linear.scatter [tilespmem:s12], [sflag:$0x2], $0x80, $0x38;
	[tilespmem:$0x2B80] =	vst v63  }
0x33: {  	_ =	swait.ge [sflag:s13], $0x80  }
0x34: {  	[sflag:s13] =	ssyncset.done $0x0  }
0x35: {  	[sflag:s13] =	ssyncadd.s32 $0xFFFFFF80  }
0x36: {  	[bflag:$0x0] =	sbarrier.arrive $0xFFFF  }
0x37: {  	[tilespmem:s3], [sflag:$0x2] =	stream.linear.gather [hbm4b:s9+s3], $0x2800, $0x38;
	[tilespmem:$0x2B80] =	vst v63  }
0x38: {  	_ =	swait.ge [sflag:s13], $0x2800  }
0x39: {  	[sflag:s13] =	ssyncset.done $0x0  }
0x3a: {  	s22 =	simm.s32 $0x0;
	[sflag:s13] =	ssyncadd.s32 $0xFFFFD800  }
.LBB2_2:
0x3b: {  	p0 =	sne.s32 s22, $0x9E00  }
.Ltmp0:
0x3c: {  	_ = 	snop;
	(pc) =	sbr.rel @p0 .LBB2_2-.Ltmp0, $3  }
0x3d: {  	_ =	sdelay $0x1  }
0x3e: {  	s23 =	sshra.s32 s22, $0x2;
	s22 =	sadd.s32 $0x200, s22  }
0x3f: {  	[spmem:s2] =	stream.indirect.scatter.add.f32 [tilespmem:s15], [sflag:$0x1], $0x1, s23, s14, $0xb8;
	[tilespmem:$0x2B80] =	vst v63  }
0x40: {  	_ =	swait.ge [sflag:s16], $0x80  }
0x41: {  	s22 =	simm.s32 $0x4F;
	[sflag:s16] =	ssyncset.done $0x0  }
.LBB2_4:
0x42: {  	p0 =	sne.s32 s22, $0x1;
	s22 =	sadd.s32 $0xFFFFFFFF, s22;
	[sflag:s16] =	ssyncadd.s32 $0xFFFFFF80  }
.Ltmp1:
0x43: {  	(pc) =	sbr.rel @p0 .LBB2_4-.Ltmp1, $3  }
0x44: {  	_ =	sdelay $0x1  }
0x45: {  	_ =	swait.ge [sflag:s16], $0x80  }
0x46: {  	[sflag:s16] =	ssyncset.done $0x0  }
0x47: {  	s21 =	sadd.s32 $0x1, s21  }
0x48: {  	[sflag:s16] =	ssyncadd.s32 $0xFFFFFF80;
	p0 =	sne.s32 s21, s11  }
.Ltmp2:
0x49: {  	[bflag:$0x0] =	sbarrier.arrive $0xFFFF;
	(pc) =	sbr.rel @p0 .LBB2_1-.Ltmp2, $4  }
0x4a: {  	[hbm:s10@s19], [sflag:s17] =	dma.strided [spmem:s18@s20], $0x50, s16, $0x10   }
0x4b: {  	_ =	swait.ge [sflag:s13], $0x50  }
0x4c: {  	[sflag:s13] =	ssyncset.done $0x0  }
0x4d: {  	[sflag:s13] =	ssyncadd.s32 $0xFFFFFFB0  }
0x4e: {  	_ =	sfence.sel $0x180000  }
0x4f: {  	[bflag:$0x0] =	sbarrier.arrive $0xFFFF  }
0x50: {  	p0 =	sne.s32 s1, $0x0;
	_ =	strace $0x90000047  }
0x51: {  	s0 =	sadd.s32 @!p0 $0x100000, s0;
	[bflag:$0x2] =	sbarrier.arrive $0xFFFF  }
0x52: {  	[sflag:s0] =	ssyncadd.tile.s32 @!p0 $0x1;
	_ =	shalt  }
.Lfunc_end2:
_tile_overlayer_lowered:
.L_overlay_start_2:
0x53: {  	(tag) =	ssettag $0x2  }
0x54: {  	s0 =	rddreg [dreg:$0x0];
	s2 =	stileid.u32  }
0x55: {  	s1 =	rddreg [dreg:$0x1];
	p0 =	sne.s32 s2, $0x0  }
0x56: {  	s3 =	rddreg [dreg:$0x2];
	[bflag:$0x3] =	sbarrier.arrive $0xFFFF;
	s2 =	simm.s32 @!p0 $0x1C02  }
0x57: {  	[timem:s3], [sflag:s2] =	dma.local @!p0 [hbm:s0], s1  }
0x58: {  	s0 =	simm.s32 @!p0 $0x2  }
0x59: {  	_ =	swait.ge @!p0 [sflag:s0], s1  }
0x5a: {  	s1 =	ssub.s32 @!p0 $0x0, s1;
	[sflag:s0] =	ssyncset.done @!p0 $0x0  }
0x5b: {  	[sflag:s0] =	ssyncadd.s32 @!p0 s1  }
0x5c: {  	[bflag:$0x3] =	sbarrier.arrive $0xFFFF  }
0x5d: {  	_ =	shalt  }

// kernel: kernel.9.cloned.1.call-start
scs
__scs_entry_jumppad:
0x0: {  	(pc) =	sbr.rel $0x88, $3  }
0x1: {  	(tag) =	ssettag $0x0;
	lr =	simm.s32 $0x1  }
0x2: {  	[smem:$0x3F9D] =	sst lr;
	_ =	strace $0xD0000000  }
0x3: {  	_ = 	snop  }
0x4: {  	_ = 	snop  }
0x5: {  	_ = 	snop  }
0x6: {  	_ = 	snop  }
0x7: {  	_ = 	snop  }
__scs_overlays_trampoline_lowered:
0x8: {  	[smem:$0x3FAC] =	sst s0  }
0x9: {  	[smem:$0x3FAD] =	sst s1  }
0xa: {  	[smem:$0x3FAE] =	sst s2  }
0xb: {  	[smem:$0x3FAF] =	sst s3  }
0xc: {  	[smem:$0x3FB0] =	sst s4  }
0xd: {  	[smem:$0x3FB1] =	sst s5  }
0xe: {  	[smem:$0x3FB2] =	sst s6  }
0xf: {  	[smem:$0x3FB3] =	sst s7  }
0x10: {  	[smem:$0x3FB4] =	sst s8  }
0x11: {  	[smem:$0x3FB5] =	sst s9;
	s0 =	simm.s32 @!p0 $0x0  }
0x12: {  	s1 =	sld [smem:$0x3F9B];
	s0 =	simm.s32 @p0 $0x1  }
0x13: {  	[smem:$0x3FB6] =	sst s0;
	s0 =	simm.s32 @!p1 $0x0  }
0x14: {  	s2 =	sld [smem:$0x3F9A];
	s0 =	simm.s32 @p1 $0x1  }
0x15: {  	[smem:$0x3FB7] =	sst s0;
	s0 =	simm.s32 @!p2 $0x0  }
0x16: {  	s3 =	sld [smem:$0x3FDB];
	s0 =	simm.s32 @p2 $0x1  }
0x17: {  	s4 =	simm.s32 $0x1BF5;
	[smem:$0x3FB9] =	sst s0  }
0x18: {  	s0 =	sld [smem:$0x3F9C];
	_ =	swait.ge [sflag:s4], $0x0  }
0x19: {  	s7 =	sld [smem:$0x3F9D]  }
0x1a: {  	s8 =	sadd.s32 $0xFFFFE003, lr  }
0x1b: {  	s9 =	sadd.s32 $0xFFFFFEF7, lr;
	s5 =	simm.s32 $0xFFFFFFFF;
	p2 =	slt.u32 s8, $0xFFFFF086  }
0x1c: {  	p1 =	slt.u32 s9, $0xF7A;
	s5 =	simm.s32 @!p2 $0x0  }
0x1d: {  	s5 =	simm.s32 @p1 $0x1;
	p0 =	seq.s32 s7, s2  }
0x1e: {  	s7 =	smul.u32 @!p0 $0xF7A, s2;
	p2 =	seq.s32 @!p0 s5, $0x0  }
0x1f: {  	s9 =	smul.u32 $0xF7A, s1;
	s8 =	simm.s32 @!p0 $0x1BF5;
	p2 =	por !p2, p0  }
0x20: {  	[sflag:s8] =	ssyncset.s32 @!p0 $0xFFFFF086;
	s6 =	sadd.s32 @!p0 s3, s7;
	s7 =	simm.s32 @!p0 $0x108  }
0x21: {  	s3 =	sadd.s32 s3, s9;
	s6 =	sadd.s32 @!p0 $0x88, s6;
	s7 =	simm.s32 @p2 $0x1082  }
0x22: {  	[simem:s7], [sflag:s8] =	dma.local @!p0 [hbm:s6], $0xF7A  }
0x23: {  	s9 =	sor.u32 $0xD0000000, s2;
	s6 =	simm.s32 $0x108;
	_ =	swait.ge @!p0 [sflag:s8], $0x0  }
0x24: {  	s3 =	sadd.s32 $0x88, s3;
	s6 =	simm.s32 @!p1 $0x1082;
	[sflag:s4] =	ssyncset.s32 $0xFFFFF086  }
0x25: {  	[simem:s6], [sflag:s4] =	dma.local [hbm:s3], $0xF7A  }
0x26: {  	[smem:$0x3F9D] =	sst s1;
	(tag) =	ssettag s2;
	_ =	strace s9  }
0x27: {  	s1 =	sld [smem:$0x3FAD]  }
0x28: {  	s2 =	sld [smem:$0x3FAE]  }
0x29: {  	s4 =	sld [smem:$0x3FB0]  }
0x2a: {  	p0 =	seq.s32 s5, $0x0;
	s5 =	sld [smem:$0x3FB1]  }
0x2b: {  	s6 =	sld [smem:$0x3FB2]  }
0x2c: {  	s7 =	sld [smem:$0x3FB3]  }
0x2d: {  	s3 =	simm.s32 $0x108;
	s8 =	sld [smem:$0x3FB4]  }
0x2e: {  	s3 =	simm.s32 @!p0 $0x1082;
	s9 =	sld [smem:$0x3FB5]  }
0x2f: {  	lr =	sadd.s32 s0, s3;
	s0 =	sld [smem:$0x3FAC]  }
0x30: {  	s3 =	sld [smem:$0x3FAF]  }
0x31: {  	[smem:$0x3FB8] =	sst s10  }
0x32: {  	s10 =	sld [smem:$0x3FB6];
	_ =	sdelay $0x3  }
0x33: {  	p0 =	seq.s32 s10, $0x1;
	s10 =	sld [smem:$0x3FB8];
	_ =	sdelay $0x3  }
0x34: {  	[smem:$0x3FB8] =	sst s10  }
0x35: {  	s10 =	sld [smem:$0x3FB7];
	_ =	sdelay $0x3  }
0x36: {  	p1 =	seq.s32 s10, $0x1;
	s10 =	sld [smem:$0x3FB8];
	_ =	sdelay $0x3  }
0x37: {  	[smem:$0x3FB8] =	sst s10  }
0x38: {  	s10 =	sld [smem:$0x3FB9]  }
0x39: {  	_ = 	snop;
	(pc) =	sbr.ind lr, $3  }
0x3a: {  	_ = 	snop  }
0x3b: {  	_ = 	snop  }
0x3c: {  	p2 =	seq.s32 s10, $0x1;
	s10 =	sld [smem:$0x3FB8]  }
0x3d: {  	_ =	shalt  }
0x3e: {  	_ =	shalt  }
0x3f: {  	_ =	shalt  }
0x40: {  	_ =	shalt  }
0x41: {  	_ =	shalt  }
0x42: {  	_ =	shalt  }
0x43: {  	_ =	shalt  }
0x44: {  	_ =	shalt  }
0x45: {  	_ =	shalt  }
0x46: {  	_ =	shalt  }
0x47: {  	_ =	shalt  }
0x48: {  	_ =	shalt  }
0x49: {  	_ =	shalt  }
0x4a: {  	_ =	shalt  }
0x4b: {  	_ =	shalt  }
0x4c: {  	_ =	shalt  }
0x4d: {  	_ =	shalt  }
0x4e: {  	_ =	shalt  }
0x4f: {  	_ =	shalt  }
0x50: {  	_ =	shalt  }
0x51: {  	_ =	shalt  }
0x52: {  	_ =	shalt  }
0x53: {  	_ =	shalt  }
0x54: {  	_ =	shalt  }
0x55: {  	_ =	shalt  }
0x56: {  	_ =	shalt  }
0x57: {  	_ =	shalt  }
0x58: {  	_ =	shalt  }
0x59: {  	_ =	shalt  }
0x5a: {  	_ =	shalt  }
0x5b: {  	_ =	shalt  }
0x5c: {  	_ =	shalt  }
0x5d: {  	_ =	shalt  }
0x5e: {  	_ =	shalt  }
0x5f: {  	_ =	shalt  }
0x60: {  	_ =	shalt  }
0x61: {  	_ =	shalt  }
0x62: {  	_ =	shalt  }
0x63: {  	_ =	shalt  }
0x64: {  	_ =	shalt  }
0x65: {  	_ =	shalt  }
0x66: {  	_ =	shalt  }
0x67: {  	_ =	shalt  }
0x68: {  	_ =	shalt  }
0x69: {  	_ =	shalt  }
0x6a: {  	_ =	shalt  }
0x6b: {  	_ =	shalt  }
0x6c: {  	_ =	shalt  }
0x6d: {  	_ =	shalt  }
0x6e: {  	_ =	shalt  }
0x6f: {  	_ =	shalt  }
0x70: {  	_ =	shalt  }
0x71: {  	_ =	shalt  }
0x72: {  	_ =	shalt  }
0x73: {  	_ =	shalt  }
0x74: {  	_ =	shalt  }
0x75: {  	_ =	shalt  }
0x76: {  	_ =	shalt  }
0x77: {  	_ =	shalt  }
0x78: {  	_ =	shalt  }
0x79: {  	_ =	shalt  }
0x7a: {  	_ =	shalt  }
0x7b: {  	_ =	shalt  }
0x7c: {  	_ =	shalt  }
0x7d: {  	_ =	shalt  }
0x7e: {  	_ =	shalt  }
0x7f: {  	_ =	shalt  }
0x80: {  	_ =	shalt  }
0x81: {  	_ =	shalt  }
0x82: {  	_ =	shalt  }
0x83: {  	_ =	shalt  }
0x84: {  	_ =	shalt  }
0x85: {  	_ =	shalt  }
0x86: {  	_ =	shalt  }
0x87: {  	_ =	shalt  }
.Lfunc_end0:
.L_simem_size_0:
called_computation.1_lowered:
.L_overlay_start_0:
0x88: {  	s2 =	sld [smem:$0x3FD9]  }
0x89: {  	s3 =	sld [smem:$0x3FFE];
	_ =	sdelay $0x1  }
0x8a: {  	s1 =	srdreg.scid  }
0x8b: {  	s0 =	sand.u32 $0x1, s1  }
0x8c: {  	s17 =	sshll.u32 s0, $0xA;
	s2 =	sadd.s32 s3, s2  }
0x8d: {  	s2 =	sadd.s32 s2, s17  }
0x8e: {  	[smem:$0x3FC4] =	sst s2  }
0x8f: {  	_ = 	snop  }
0x90: {  	s2 =	sld [smem:$0x3FD0];
	(tm) =	ssettm $0x1  }
0x91: {  	s18 =	sld [smem:$0x3FFB];
	_ =	sdelay $0x3  }
0x92: {  	_ =	strace s18  }
0x93: {  	s3 =	sld [smem:$0x3FFC];
	_ =	sdelay $0x3  }
0x94: {  	_ =	strace s3  }
0x95: {  	s3 =	sld [smem:$0x3FFD];
	_ =	sdelay $0x3  }
0x96: {  	_ =	strace s3  }
0x97: {  	_ =	strace $0x8FFFFFFF  }
0x98: {  	s19 =	sld [smem:$0x3FDB];
	_ =	sdelay $0x1  }
0x99: {  	s4 =	simm.s32 $_scs_section_size  }
0x9a: {  	s5 =	simm.s32 $_size__tile_overlayer_lowered;
	s6 =	simm.s32 $_tile_overlayer_lowered  }
0x9b: {  	s22 =	simm.s32 $0x1BFF;
	s21 =	sshll.u32 s6, $0x1;
	s3 =	sadd.s32 s4, s19  }
0x9c: {  	s7 =	simm.s32 $0x0;
	s20 =	sshll.u32 s5, $0x1;
	s5 =	sadd.s32 s21, s3  }
0x9d: {  	[timem:s7], [sflag:s22] =	dma.local [hbm:s5], s20  }
0x9e: {  	_ =	swait.ge [sflag:s22], s20  }
0x9f: {  	s4 =	ssub.s32 $0x0, s20;
	[sflag:s22] =	ssyncset.done $0x0  }
0xa0: {  	[sflag:s22] =	ssyncadd.s32 s4;
	_ =	sdelay $0x1  }
0xa1: {  	s23 =	simm.s32 $0x1B8B  }
0xa2: {  	_ =	swait.ge [sflag:s23], $0x1  }
0xa3: {  	[sflag:s23] =	ssyncset.done $0x0  }
0xa4: {  	s25 =	simm.s32 $0x1B8E;
	s24 =	sld [smem:$0x3FFE];
	[sflag:s23] =	ssyncadd.s32 $0xFFFFFFFF  }
0xa5: {  	s26 =	simm.s32 $execute0_lowered;
	[smem:$0x3FD2] =	sst s25  }
0xa6: {  	s5 =	sshll.u32 s26, $0x1;
	_ =	strace $0x80000049;
	[dreg:$0x1] =	wrdreg $0xFFFFFFFF  }
0xa7: {  	s28 =	simm.s32 $_size_execute0_lowered;
	s3 =	sadd.s32 s3, s5;
	[dreg:$0x0] =	wrdreg $0x0  }
0xa8: {  	s5 =	sshll.u32 s28, $0x1;
	[dreg:$0x2] =	wrdreg s3  }
0xa9: {  	[dreg:$0x3] =	wrdreg s5  }
0xaa: {  	[dreg:$0x4] =	wrdreg $0xC0  }
0xab: {  	_ =	task [dreg:s7], $0x5FFFF  }
0xac: {  	[dreg:$0x1] =	wrdreg $0xFFFFFFFF  }
0xad: {  	[dreg:$0x0] =	wrdreg $0x60  }
0xae: {  	[dreg:$0x2] =	wrdreg s2  }
0xaf: {  	[dreg:$0x3] =	wrdreg s24  }
0xb0: {  	[dreg:$0x4] =	wrdreg $0x90000  }
0xb1: {  	[dreg:$0x5] =	wrdreg $0x9  }
0xb2: {  	_ =	task.clear_ibuf [dreg:s7], $0x6FFFF;
	_ =	strace $0x90000049  }
0xb3: {  	s29 =	simm.s32 $0x9;
	_ =	strace $0x8000004B  }
0xb4: {  	_ =	swait.ge [sflag:s29], $0x1  }
0xb5: {  	[sflag:s29] =	ssyncadd.s32 $0xFFFFFFFF  }
0xb6: {  	_ =	strace $0x9000004B  }
0xb7: {  	_ =	sfence  }
0xb8: {  	s30 =	sld [smem:$0x0];
	_ =	sdelay $0x2  }
0xb9: {  	s31 =	sshll.u32 s1, $0xD;
	s1 =	sshrl.u32 s1, $0x2  }
0xba: {  	s3 =	sand.u32 $0x4000, s31;
	s1 =	sadd.s32 s1, s30  }
0xbb: {  	s0 =	sor.u32 s3, s0;
	s1 =	sshll.u32 s1, $0x11  }
0xbc: {  	s0 =	sor.u32 s1, s0  }
0xbd: {  	s0 =	sadd.s32 $0x8F2B, s0  }
0xbe: {  	[sflag:s0] =	ssyncadd.remote.s32 $0x1  }
0xbf: {  	_ =	sfence.sel $0xFFFF  }
0xc0: {  	[dreg:$0x0] =	wrdreg $0xFFFFFFFF;
	(pc) =	sbr.abs _section_cstart, $3  }
0xc1: {  	[dreg:$0x1] =	wrdreg $0xFFFFFFFF  }
0xc2: {  	_ =	task.clear_ibuf [dreg:s7], $0x2FFFF;
	_ =	strace $0x9FFFFFFF  }
0xc3: {  	(tm) =	ssettm $0x7FFFFFFF  }
tec
execute0_lowered:
.L_overlay_start_1:
0x0: {  	(tag) =	ssettag $0x1  }
0x1: {  	s0 =	rddreg [dreg:$0x0]  }
0x2: {  	s5 =	rddreg [dreg:$0x1]  }
0x3: {  	s1 =	rddreg [dreg:$0x2]  }
0x4: {  	s2 =	srdreg.scid;
	s3 =	simm.s32 $0x0;
	s29 =	stileid.u32  }
0x5: {  	s18 =	simm.s32 $0x4;
	s20 =	simm.s32 $0x400;
	s21 =	simm.s32 $0xC00  }
0x6: {  	s22 =	simm.s32 $0x80;
	s23 =	simm.s32 $0x5000;
	s7 =	smul.u32 $0x14000, s29  }
0x7: {  	s24 =	simm.s32 $0x2;
	s25 =	simm.s32 $0x3;
	s8 =	smul.u32 $0x50000, s29  }
0x8: {  	s10 =	sand.u32 $0x1, s2;
	[smem:$0x7FF] =	sst s3;
	s17 =	smul.u32 $0x500, s29  }
0x9: {  	s4 =	sadd.s32 $0x1C00, s5;
	s6 =	smul.u32 $0x140000, s10;
	_ =	strace $0x8000004A  }
0xa: {  	s30 =	sshll.u32 s10, $0x4;
	s9 =	ssub.s32 $0x2, s10;
	s16 =	smul.u32 $0x5000, s10  }
0xb: {  	s11 =	sshrl.u32 s9, $0x1;
	s8 =	sshrl.u32 s8, $0x2;
	s6 =	sadd.s32 s7, s6  }
0xc: {  	s7 =	sor.u32 s29, s30;
	s15 =	ssub.s32 s9, s11;
	s6 =	sshrl.u32 s6, $0x3  }
0xd: {  	s12 =	smul.u32 $0x2800, s7;
	s14 =	sadd.s32 s6, s5;
	s5 =	sadd.s32 s8, s1  }
.Ltmp0:
0xe: {  	s15 =	smax.u32 s15, $0x1;
	s6 =	sadd.s32 $0x4000, s5;
	(pc) =	sbr.rel .LBB2_1-.Ltmp0, $4  }
0xf: {  	s7 =	sadd.s32 $0x8000, s5;
	s31 =	sshrl.u32 s12, $0x3;
	s8 =	sadd.s32 $0xC000, s5  }
0x10: {  	s10 =	sadd.s32 $0x10000, s5;
	s14 =	sadd.s32 $0x29C00, s14;
	s9 =	sadd.s32 s0, s31  }
0x11: {  	s0 =	sadd.s32 s16, s0;
	s11 =	sadd.s32 $0xA000, s9;
	s12 =	sadd.s32 $0xA080, s9  }
0x12: {  	v0 =	vimm.f32 $0.0e+00;
	s13 =	sadd.s32 $0x80, s9;
	s16 =	sadd.s32 s17, s0;
	s17 =	simm.s32 $0x1000  }
.LBB2_5:
0x13: {  	_ =	swait.ge [sflag:s25], $0x4000  }
0x14: {  	[sflag:s25] =	ssyncset.done $0x0  }
0x15: {  	s0 =	sor.u32 $0x800, s0;
	[sflag:s25] =	ssyncadd.s32 $0xFFFFC000  }
0x16: {  	[spmem:s1] =	stream.indirect.scatter.add.f32 [tilespmem:s23], [sflag:$0x4], $0x80, s0, s22, $0xb8;
	[tilespmem:$0x1D000] =	vst v63  }
0x17: {  	_ =	swait.ge [sflag:s18], $0x4000  }
0x18: {  	[sflag:s18] =	ssyncset.done $0x0  }
0x19: {  	[sflag:s18] =	ssyncadd.s32 $0xFFFFC000  }
.LBB2_7:
0x1a: {  	s0 =	stileid.u32;
	s3 =	sadd.s32 $0x1, s3  }
0x1b: {  	[bflag:$0x0] =	sbarrier.arrive $0xFFFF;
	s0 =	sshll.u32 s0, $0x6;
	p0 =	sne.s32 s3, s15  }
.Ltmp1:
0x1c: {  	s2 =	sshrl.u32 s5, $0x3;
	s0 =	sor.u32 $0x1C04, s0;
	(pc) =	sbr.rel @!p0 .LBB2_8-.Ltmp1, $4  }
0x1d: {  	[hbm:s14], [sflag:s0] =	dma.local [spmem:s2], $0x2800  }
0x1e: {  	_ =	swait.ge [sflag:s18], $0x2800  }
0x1f: {  	[sflag:s18] =	ssyncset.done $0x0  }
0x20: {  	[sflag:s18] =	ssyncadd.s32 $0xFFFFD800  }
.LBB2_1:
0x21: {  	s26 =	simm.s32 $0x0;
	s0 =	simm.s32 $0x200  }
.LBB2_2:
0x22: {  	p0 =	sne.s32 s0, $0xFE00;
	[tilespmem:s26+$0x1070] =	vst v0  }
0x23: {  	[tilespmem:s26+$0x1000] =	vst v0  }
0x24: {  	[tilespmem:s26+$0x1010] =	vst v0  }
.Ltmp2:
0x25: {  	[tilespmem:s26+$0x1020] =	vst v0;
	(pc) =	sbr.rel @p0 .LBB2_2-.Ltmp2, $4  }
0x26: {  	[tilespmem:s26+$0x1030] =	vst v0  }
0x27: {  	[tilespmem:s26+$0x1040] =	vst v0  }
0x28: {  	[tilespmem:s26+$0x1050] =	vst v0  }
0x29: {  	[tilespmem:s26+$0x1060] =	vst v0;
	s26 =	sshra.s32 s0, $0x2;
	s0 =	sadd.s32 $0x200, s0  }
0x2a: {  	[tilespmem:s26+$0x1070] =	vst v0  }
0x2b: {  	[tilespmem:s26+$0x1000] =	vst v0  }
0x2c: {  	[tilespmem:s26+$0x1010] =	vst v0  }
0x2d: {  	[tilespmem:s26+$0x1020] =	vst v0  }
0x2e: {  	[tilespmem:s26+$0x1030] =	vst v0  }
0x2f: {  	[tilespmem:s26+$0x1040] =	vst v0  }
0x30: {  	[tilespmem:s26+$0x1050] =	vst v0  }
0x31: {  	[tilespmem:s26+$0x1060] =	vst v0  }
0x32: {  	[spmem:s5] =	stream.linear.scatter [tilespmem:s17], [sflag:$0x4], $0x4000, $0x38;
	[tilespmem:$0x1D000] =	vst v63  }
0x33: {  	_ =	swait.ge [sflag:s18], $0x4000  }
0x34: {  	[sflag:s18] =	ssyncset.done $0x0  }
0x35: {  	[sflag:s18] =	ssyncadd.s32 $0xFFFFC000  }
0x36: {  	[spmem:s6] =	stream.linear.scatter [tilespmem:s17], [sflag:$0x4], $0x4000, $0x38;
	[tilespmem:$0x1D000] =	vst v63  }
0x37: {  	_ =	swait.ge [sflag:s18], $0x4000  }
0x38: {  	[sflag:s18] =	ssyncset.done $0x0  }
0x39: {  	[sflag:s18] =	ssyncadd.s32 $0xFFFFC000  }
0x3a: {  	[spmem:s7] =	stream.linear.scatter [tilespmem:s17], [sflag:$0x4], $0x4000, $0x38;
	[tilespmem:$0x1D000] =	vst v63  }
0x3b: {  	_ =	swait.ge [sflag:s18], $0x4000  }
0x3c: {  	[sflag:s18] =	ssyncset.done $0x0  }
0x3d: {  	[sflag:s18] =	ssyncadd.s32 $0xFFFFC000  }
0x3e: {  	[spmem:s8] =	stream.linear.scatter [tilespmem:s17], [sflag:$0x4], $0x4000, $0x38;
	[tilespmem:$0x1D000] =	vst v63  }
0x3f: {  	_ =	swait.ge [sflag:s18], $0x4000  }
0x40: {  	[sflag:s18] =	ssyncset.done $0x0  }
0x41: {  	[sflag:s18] =	ssyncadd.s32 $0xFFFFC000  }
0x42: {  	[spmem:s10] =	stream.linear.scatter [tilespmem:s17], [sflag:$0x4], $0x4000, $0x38;
	[tilespmem:$0x1D000] =	vst v63  }
0x43: {  	_ =	swait.ge [sflag:s18], $0x4000  }
0x44: {  	[sflag:s18] =	ssyncset.done $0x0  }
0x45: {  	[sflag:s18] =	ssyncadd.s32 $0xFFFFC000  }
0x46: {  	s26 =	simm.s32 $0x0;
	[bflag:$0x0] =	sbarrier.arrive $0xFFFF  }
0x47: {  	[tilespmem:s26], [sflag:$0x4] =	stream.linear.gather [hbm4b:s11+s26], $0x400, $0x38;
	[tilespmem:$0x1D000] =	vst v63  }
0x48: {  	_ =	swait.ge [sflag:s18], $0x400  }
0x49: {  	[sflag:s18] =	ssyncset.done $0x0  }
0x4a: {  	s0 =	simm.s32 $0x800;
	[sflag:s18] =	ssyncadd.s32 $0xFFFFFC00  }
0x4b: {  	[tilespmem:s0], [sflag:$0x4] =	stream.linear.gather [hbm4b:s9+s26], $0x400, $0x38;
	[tilespmem:$0x1D000] =	vst v63  }
0x4c: {  	_ =	swait.ge [sflag:s18], $0x400  }
0x4d: {  	[sflag:s18] =	ssyncset.done $0x0  }
0x4e: {  	[sflag:s18] =	ssyncadd.s32 $0xFFFFFC00  }
0x4f: {  	[tilespmem:s20], [sflag:$0x1] =	stream.linear.gather [hbm4b:s12+s26], $0x400, $0x38;
	[tilespmem:$0x1D000] =	vst v63  }
0x50: {  	_ = 	snop  }
0x51: {  	[tilespmem:s21], [sflag:$0x1] =	stream.linear.gather [hbm4b:s13+s26], $0x400, $0x38;
	[tilespmem:$0x1D000] =	vst v63  }
0x52: {  	_ = 	snop  }
0x53: {  	[tilespmem:s17], [sflag:$0x2] =	stream.indirect.gather [hbm4b:s4+s22], $0x80, s26, s22, $0xb8;
	[tilespmem:$0x1D000] =	vst v63  }
0x54: {  	s28 =	simm.s32 $0x0;
	s29 =	simm.s32 $0x0  }
0x55: {  	[tilespmem:s23], [sflag:$0x3] =	stream.indirect.gather [hbm4b:s4+s22], $0x80, s22, s22, $0xb8;
	[tilespmem:$0x1D000] =	vst v63  }
.LBB2_4:
0x56: {  	p0 =	seq.s32 s28, $0x480  }
0x57: {  	s0 =	simm.s32 @!p0 $0x1  }
0x58: {  	_ =	swait.ge @!p0 [sflag:s0], $0x400  }
0x59: {  	[sflag:s0] =	ssyncset.done @!p0 $0x0  }
0x5a: {  	[sflag:s0] =	ssyncadd.s32 @!p0 $0xFFFFFC00  }
0x5b: {  	_ =	swait.ge @!p0 [sflag:s0], $0x400  }
0x5c: {  	[sflag:s0] =	ssyncset.done @!p0 $0x0  }
0x5d: {  	[sflag:s0] =	ssyncadd.s32 @!p0 $0xFFFFFC00  }
0x5e: {  	_ =	swait.ge [sflag:s24], $0x4000  }
0x5f: {  	s30 =	sand.u32 $0x400, s26;
	[sflag:s24] =	ssyncset.done $0x0  }
0x60: {  	s31 =	sor.u32 $0x800, s30;
	[sflag:s24] =	ssyncadd.s32 $0xFFFFC000  }
0x61: {  	[spmem:s1] =	stream.indirect.scatter.add.f32 [tilespmem:s17], [sflag:$0x4], $0x80, s31, s22, $0xb8;
	[tilespmem:$0x1D000] =	vst v63  }
0x62: {  	_ =	swait.ge [sflag:s18], $0x4000  }
0x63: {  	[sflag:s18] =	ssyncset.done $0x0  }
0x64: {  	s2 =	sor.u32 $0x100, s30;
	[sflag:s18] =	ssyncadd.s32 $0xFFFFC000  }
0x65: {  	[tilespmem:s17], [sflag:$0x2] =	stream.indirect.gather [hbm4b:s4+s22], $0x80, s2, s22, $0xb8;
	[tilespmem:$0x1D000] =	vst v63  }
0x66: {  	_ =	swait.ge [sflag:s25], $0x4000  }
0x67: {  	[sflag:s25] =	ssyncset.done $0x0  }
0x68: {  	s19 =	sor.u32 $0x880, s30;
	[sflag:s25] =	ssyncadd.s32 $0xFFFFC000  }
0x69: {  	[spmem:s1] =	stream.indirect.scatter.add.f32 [tilespmem:s23], [sflag:$0x4], $0x80, s19, s22, $0xb8;
	[tilespmem:$0x1D000] =	vst v63  }
0x6a: {  	_ =	swait.ge [sflag:s18], $0x4000  }
0x6b: {  	[sflag:s18] =	ssyncset.done $0x0  }
0x6c: {  	s2 =	sor.u32 $0x180, s30;
	[sflag:s18] =	ssyncadd.s32 $0xFFFFC000  }
0x6d: {  	[tilespmem:s23], [sflag:$0x3] =	stream.indirect.gather [hbm4b:s4+s22], $0x80, s2, s22, $0xb8;
	[tilespmem:$0x1D000] =	vst v63  }
0x6e: {  	_ =	swait.ge [sflag:s24], $0x4000  }
0x6f: {  	[sflag:s24] =	ssyncset.done $0x0  }
0x70: {  	s19 =	sor.u32 $0x900, s30;
	[sflag:s24] =	ssyncadd.s32 $0xFFFFC000  }
0x71: {  	[spmem:s1] =	stream.indirect.scatter.add.f32 [tilespmem:s17], [sflag:$0x4], $0x80, s19, s22, $0xb8;
	[tilespmem:$0x1D000] =	vst v63  }
0x72: {  	_ =	swait.ge [sflag:s18], $0x4000  }
0x73: {  	[sflag:s18] =	ssyncset.done $0x0  }
0x74: {  	s2 =	sor.u32 $0x200, s30;
	[sflag:s18] =	ssyncadd.s32 $0xFFFFC000  }
0x75: {  	[tilespmem:s17], [sflag:$0x2] =	stream.indirect.gather [hbm4b:s4+s22], $0x80, s2, s22, $0xb8;
	[tilespmem:$0x1D000] =	vst v63  }
0x76: {  	_ =	swait.ge [sflag:s25], $0x4000  }
0x77: {  	[sflag:s25] =	ssyncset.done $0x0  }
0x78: {  	s19 =	sor.u32 $0x980, s30;
	[sflag:s25] =	ssyncadd.s32 $0xFFFFC000  }
0x79: {  	[spmem:s1] =	stream.indirect.scatter.add.f32 [tilespmem:s23], [sflag:$0x4], $0x80, s19, s22, $0xb8;
	[tilespmem:$0x1D000] =	vst v63  }
0x7a: {  	_ =	swait.ge [sflag:s18], $0x4000  }
0x7b: {  	[sflag:s18] =	ssyncset.done $0x0  }
0x7c: {  	s2 =	sor.u32 $0x280, s30;
	[sflag:s18] =	ssyncadd.s32 $0xFFFFC000  }
0x7d: {  	[tilespmem:s23], [sflag:$0x3] =	stream.indirect.gather [hbm4b:s4+s22], $0x80, s2, s22, $0xb8;
	[tilespmem:$0x1D000] =	vst v63  }
0x7e: {  	_ =	swait.ge [sflag:s24], $0x4000  }
0x7f: {  	[sflag:s24] =	ssyncset.done $0x0  }
0x80: {  	s19 =	sor.u32 $0xA00, s30;
	[sflag:s24] =	ssyncadd.s32 $0xFFFFC000  }
0x81: {  	[spmem:s1] =	stream.indirect.scatter.add.f32 [tilespmem:s17], [sflag:$0x4], $0x80, s19, s22, $0xb8;
	[tilespmem:$0x1D000] =	vst v63  }
0x82: {  	_ =	swait.ge [sflag:s18], $0x4000  }
0x83: {  	[sflag:s18] =	ssyncset.done $0x0  }
0x84: {  	s2 =	sor.u32 $0x300, s30;
	[sflag:s18] =	ssyncadd.s32 $0xFFFFC000  }
0x85: {  	[tilespmem:s17], [sflag:$0x2] =	stream.indirect.gather [hbm4b:s4+s22], $0x80, s2, s22, $0xb8;
	[tilespmem:$0x1D000] =	vst v63  }
0x86: {  	_ =	swait.ge [sflag:s25], $0x4000  }
0x87: {  	[sflag:s25] =	ssyncset.done $0x0  }
0x88: {  	s19 =	sor.u32 $0xA80, s30;
	[sflag:s25] =	ssyncadd.s32 $0xFFFFC000  }
0x89: {  	[spmem:s1] =	stream.indirect.scatter.add.f32 [tilespmem:s23], [sflag:$0x4], $0x80, s19, s22, $0xb8;
	[tilespmem:$0x1D000] =	vst v63  }
0x8a: {  	_ =	swait.ge [sflag:s18], $0x4000  }
0x8b: {  	[sflag:s18] =	ssyncset.done $0x0  }
0x8c: {  	s0 =	sor.u32 $0x380, s30;
	[sflag:s18] =	ssyncadd.s32 $0xFFFFC000  }
0x8d: {  	[tilespmem:s23], [sflag:$0x3] =	stream.indirect.gather [hbm4b:s4+s22], $0x80, s0, s22, $0xb8;
	[tilespmem:$0x1D000] =	vst v63  }
0x8e: {  	_ =	swait.ge [sflag:s24], $0x4000  }
0x8f: {  	p0 =	sne.s32 s28, $0x480;
	[sflag:s24] =	ssyncset.done $0x0  }
.Ltmp3:
0x90: {  	s2 =	sor.u32 $0xB00, s30;
	[sflag:s24] =	ssyncadd.s32 $0xFFFFC000;
	(pc) =	sbr.rel @!p0 .LBB2_5-.Ltmp3, $4  }
0x91: {  	[spmem:s1] =	stream.indirect.scatter.add.f32 [tilespmem:s17], [sflag:$0x4], $0x80, s2, s22, $0xb8;
	[tilespmem:$0x1D000] =	vst v63  }
0x92: {  	_ =	swait.ge [sflag:s18], $0x4000  }
0x93: {  	[sflag:s18] =	ssyncset.done $0x0  }
0x94: {  	[sflag:s18] =	ssyncadd.s32 $0xFFFFC000  }
0x95: {  	s2 =	ssub.s32 $0x400, s30  }
0x96: {  	[tilespmem:s17], [sflag:$0x2] =	stream.indirect.gather [hbm4b:s4+s22], $0x80, s2, s22, $0xb8;
	[tilespmem:$0x1D000] =	vst v63  }
0x97: {  	_ =	swait.ge [sflag:s25], $0x4000  }
0x98: {  	[sflag:s25] =	ssyncset.done $0x0  }
0x99: {  	s0 =	sor.u32 $0x800, s0;
	[sflag:s25] =	ssyncadd.s32 $0xFFFFC000  }
0x9a: {  	[spmem:s1] =	stream.indirect.scatter.add.f32 [tilespmem:s23], [sflag:$0x4], $0x80, s0, s22, $0xb8;
	[tilespmem:$0x1D000] =	vst v63  }
0x9b: {  	_ =	swait.ge [sflag:s18], $0x4000  }
0x9c: {  	p0 =	sgt.u32 s29, $0x7;
	[sflag:s18] =	ssyncset.done $0x0  }
0x9d: {  	s19 =	ssub.s32 $0x480, s30;
	s0 =	sadd.s32 @!p0 s28, s16;
	[sflag:s18] =	ssyncadd.s32 $0xFFFFC000  }
0x9e: {  	[tilespmem:s23], [sflag:$0x3] =	stream.indirect.gather [hbm4b:s4+s22], $0x80, s19, s22, $0xb8;
	[tilespmem:$0x1D000] =	vst v63  }
0x9f: {  	s2 =	sadd.s32 @!p0 $0xA100, s0;
	s19 =	simm.s32 @!p0 $0x0  }
0xa0: {  	[tilespmem:s30], [sflag:$0x1] =	stream.linear.gather @!p0 [hbm4b:s2+s19], $0x400, $0x38;
	[tilespmem:$0x1D000] =	vst v63  }
0xa1: {  	s28 =	sadd.s32 $0x80, s28;
	s0 =	sadd.s32 @!p0 $0x100, s0  }
0xa2: {  	[tilespmem:s31], [sflag:$0x1] =	stream.linear.gather @!p0 [hbm4b:s0+s19], $0x400, $0x38;
	[tilespmem:$0x1D000] =	vst v63  }
0xa3: {  	p0 =	sne.s32 s28, $0x500  }
.Ltmp4:
0xa4: {  	_ = 	snop;
	(pc) =	sbr.rel @p0 .LBB2_4-.Ltmp4, $4  }
.Ltmp5:
0xa5: {  	_ = 	snop;
	(pc) =	sbr.rel @!p0 .LBB2_7-.Ltmp5, $4  }
0xa6: {  	_ = 	snop  }
0xa7: {  	_ = 	snop  }
0xa8: {  	s26 =	sadd.s32 $0x400, s26;
	s29 =	sadd.s32 $0x1, s29  }
0xa9: {  	_ = 	snop  }
.LBB2_8:
0xaa: {  	_ =	sfence.sel $0x180000  }
0xab: {  	[bflag:$0x0] =	sbarrier.arrive $0xFFFF  }
0xac: {  	_ =	strace $0x9000004A  }
0xad: {  	s0 =	stileid.u32;
	[bflag:$0x2] =	sbarrier.arrive $0xFFFF  }
0xae: {  	p0 =	sne.s32 s0, $0x0;
	s0 =	rddreg [dreg:$0x3]  }
0xaf: {  	s0 =	sadd.s32 @!p0 $0x100000, s0  }
0xb0: {  	[sflag:s0] =	ssyncadd.tile.s32 @!p0 $0x1;
	_ =	shalt  }
.Lfunc_end2:
_tile_overlayer_lowered:
.L_overlay_start_2:
0xb1: {  	(tag) =	ssettag $0x2  }
0xb2: {  	s0 =	rddreg [dreg:$0x0];
	s2 =	stileid.u32  }
0xb3: {  	s1 =	rddreg [dreg:$0x1];
	p0 =	sne.s32 s2, $0x0  }
0xb4: {  	s3 =	rddreg [dreg:$0x2];
	[bflag:$0x3] =	sbarrier.arrive $0xFFFF;
	s2 =	simm.s32 @!p0 $0x1C04  }
0xb5: {  	[timem:s3], [sflag:s2] =	dma.local @!p0 [hbm:s0], s1  }
0xb6: {  	s0 =	simm.s32 @!p0 $0x4  }
0xb7: {  	_ =	swait.ge @!p0 [sflag:s0], s1  }
0xb8: {  	s1 =	ssub.s32 @!p0 $0x0, s1;
	[sflag:s0] =	ssyncset.done @!p0 $0x0  }
0xb9: {  	[sflag:s0] =	ssyncadd.s32 @!p0 s1  }
0xba: {  	[bflag:$0x3] =	sbarrier.arrive $0xFFFF  }
0xbb: {  	_ =	shalt  }

</sc_bundles>
